<compile_context>
chip_gen: v7x
topology: tpu7x:2x2x1
jax: 0.10.2.dev20260603
libtpu: 0.0.44.dev20260713+nightly
codegen_flags: <defaults>
</compile_context>

<pallas_src>
import jax
import jax.numpy as jnp
from jax.experimental import pallas as pl

N = 10000
D = 128
K = 20
H = 64


def _post_kernel(out_ref, x_ref, ln_g_ref, ln_b_ref, gw_ref, o_ref):
    out = out_ref[...]
    mu = jnp.mean(out, axis=-1, keepdims=True)
    var = jnp.mean((out - mu) ** 2, axis=-1, keepdims=True)
    out = (out - mu) / jnp.sqrt(var + 1e-5) * ln_g_ref[...] + ln_b_ref[...]
    out = 0.5 * out * (1.0 + jax.lax.erf(out * 0.7071067811865476))
    out = out + x_ref[...]
    o_ref[...] = gw_ref[0, 0] * out


def kernel(x, pos, W_lin, W_src, W_dst, pos_W1, pos_b1, pos_W2, pos_b2,
           attn_W1, attn_b1, attn_W2, attn_b2, ln_g, ln_b,
           gate_W1, gate_b1, gate_W2, gate_b2):
    n = x.shape[0]
    sq = jnp.sum(pos * pos, axis=1)
    d2 = sq[:, None] + sq[None, :] - 2.0 * (pos @ pos.T)
    _, idx = jax.lax.top_k(-d2, K + 1)
    self_mask = (idx == jnp.arange(n)[:, None]).astype(jnp.int32)
    order = jnp.argsort(self_mask, axis=1)
    nb = jnp.take_along_axis(idx, order[:, :K], axis=1)
    src = jnp.repeat(jnp.arange(n), K)
    dst = nb.reshape(-1)
    loops = jnp.arange(n)
    src = jnp.concatenate([src, loops])
    dst = jnp.concatenate([dst, loops])

    h = x @ W_lin.T
    a_src = x @ W_src.T
    a_dst = x @ W_dst.T
    dpos = pos[dst] - pos[src]
    delta = jax.nn.relu(dpos @ pos_W1.T + pos_b1) @ pos_W2.T + pos_b2
    alpha = a_dst[dst] - a_src[src] + delta
    alpha = jax.nn.relu(alpha @ attn_W1.T + attn_b1) @ attn_W2.T + attn_b2
    amax = jax.ops.segment_max(alpha, dst, num_segments=n)
    amax = jnp.where(jnp.isfinite(amax), amax, 0.0)
    ex = jnp.exp(alpha - amax[dst])
    denom = jax.ops.segment_sum(ex, dst, num_segments=n)
    w = ex / jnp.maximum(denom[dst], 1e-16)
    msg = w * (h[src] + delta)
    out = jax.ops.segment_sum(msg, dst, num_segments=n)

    xg = jnp.mean(x, axis=0, keepdims=True)
    pg = jnp.mean(pos, axis=0, keepdims=True)
    gi = jnp.concatenate([xg, pg], axis=-1)
    logits = jax.nn.relu(gi @ gate_W1.T + gate_b1) @ gate_W2.T + gate_b2
    gw = jax.nn.softmax(logits, axis=-1)

    return pl.pallas_call(
        _post_kernel,
        out_shape=jax.ShapeDtypeStruct((n, D), jnp.float32),
        grid=(10,),
        in_specs=[
            pl.BlockSpec((n // 10, D), lambda i: (i, 0)),
            pl.BlockSpec((n // 10, D), lambda i: (i, 0)),
            pl.BlockSpec((D,), lambda i: (0,)),
            pl.BlockSpec((D,), lambda i: (0,)),
            pl.BlockSpec((1, 1), lambda i: (0, 0)),
        ],
        out_specs=pl.BlockSpec((n // 10, D), lambda i: (i, 0)),
    )(out, x, ln_g, ln_b, gw)

# --- scband reference (transcript-rebuilt; emitter-appended) ---
"""Pipeline reference for scband-adaptive-point-cloud-layer-70179765617262 (READ-ONLY COPY).

The authoritative reference and input builder live on the scoring server;
editing this copy changes nothing except your own understanding.
"""

import jax, jax.numpy as jnp
import numpy as np

N = 10000
D = 128
K = 20
H = 64

def setup_inputs(seed: int = 0):
    key = jax.random.key(seed)
    ks = jax.random.split(key, 12)
    s = 0.05
    inp = {}
    inp['x'] = jax.random.normal(ks[0], (N, D), dtype=jnp.float32)
    inp['pos'] = jax.random.normal(ks[1], (N, 3), dtype=jnp.float32)
    inp['W_lin'] = jax.random.normal(ks[2], (D, D), dtype=jnp.float32) * s
    inp['W_src'] = jax.random.normal(ks[3], (D, D), dtype=jnp.float32) * s
    inp['W_dst'] = jax.random.normal(ks[4], (D, D), dtype=jnp.float32) * s
    inp['pos_W1'] = jax.random.normal(ks[5], (H, 3), dtype=jnp.float32) * s
    inp['pos_b1'] = jnp.zeros((H,), dtype=jnp.float32)
    inp['pos_W2'] = jax.random.normal(ks[6], (D, H), dtype=jnp.float32) * s
    inp['pos_b2'] = jnp.zeros((D,), dtype=jnp.float32)
    inp['attn_W1'] = jax.random.normal(ks[7], (H, D), dtype=jnp.float32) * s
    inp['attn_b1'] = jnp.zeros((H,), dtype=jnp.float32)
    inp['attn_W2'] = jax.random.normal(ks[8], (D, H), dtype=jnp.float32) * s
    inp['attn_b2'] = jnp.zeros((D,), dtype=jnp.float32)
    inp['ln_g'] = jnp.ones((D,), dtype=jnp.float32)
    inp['ln_b'] = jnp.zeros((D,), dtype=jnp.float32)
    inp['gate_W1'] = jax.random.normal(ks[9], (H, D + 3), dtype=jnp.float32) * s
    inp['gate_b1'] = jnp.zeros((H,), dtype=jnp.float32)
    inp['gate_W2'] = jax.random.normal(ks[10], (1, H), dtype=jnp.float32) * s
    inp['gate_b2'] = jnp.zeros((1,), dtype=jnp.float32)
    return inp

def knn_edges(pos, k):
    # knn_graph(pos, k, flow='target_to_source'): edge_index = [query, neighbor], self-loops removed
    n = pos.shape[0]
    sq = jnp.sum(pos * pos, axis=1)
    d2 = sq[:, None] + sq[None, :] - 2.0 * (pos @ pos.T)
    _, idx = jax.lax.top_k(-d2, k + 1)
    self_mask = (idx == jnp.arange(n)[:, None]).astype(jnp.int32)
    order = jnp.argsort(self_mask, axis=1)  # stable: non-self entries first, preserving distance order
    nb = jnp.take_along_axis(idx, order[:, :k], axis=1)
    src = jnp.repeat(jnp.arange(n), k)  # source j = query node
    dst = nb.reshape(-1)                # target i = neighbor node
    # PointTransformerConv add_self_loops=True
    loops = jnp.arange(n)
    src = jnp.concatenate([src, loops])
    dst = jnp.concatenate([dst, loops])
    return src, dst

def point_transformer(x, pos, src, dst, W_lin, W_src, W_dst, pos_W1, pos_b1, pos_W2, pos_b2, attn_W1, attn_b1, attn_W2, attn_b2):
    n = x.shape[0]
    h = x @ W_lin.T        # value projection (lin, no bias)
    a_src = x @ W_src.T    # alpha_j
    a_dst = x @ W_dst.T    # alpha_i
    dpos = pos[dst] - pos[src]  # pos_i - pos_j
    delta = jax.nn.relu(dpos @ pos_W1.T + pos_b1) @ pos_W2.T + pos_b2
    alpha = a_dst[dst] - a_src[src] + delta
    alpha = jax.nn.relu(alpha @ attn_W1.T + attn_b1) @ attn_W2.T + attn_b2
    amax = jax.ops.segment_max(alpha, dst, num_segments=n)
    amax = jnp.where(jnp.isfinite(amax), amax, 0.0)
    ex = jnp.exp(alpha - amax[dst])
    denom = jax.ops.segment_sum(ex, dst, num_segments=n)
    w = ex / jnp.maximum(denom[dst], 1e-16)
    msg = w * (h[src] + delta)
    return jax.ops.segment_sum(msg, dst, num_segments=n)

def reference(x, pos, W_lin, W_src, W_dst, pos_W1, pos_b1, pos_W2, pos_b2, attn_W1, attn_b1, attn_W2, attn_b2, ln_g, ln_b, gate_W1, gate_b1, gate_W2, gate_b2):
    src, dst = knn_edges(pos, K)
    out = point_transformer(x, pos, src, dst, W_lin, W_src, W_dst, pos_W1, pos_b1, pos_W2, pos_b2, attn_W1, attn_b1, attn_W2, attn_b2)
    # LayerNorm (torch eps=1e-5, biased var)
    mu = jnp.mean(out, axis=-1, keepdims=True)
    var = jnp.mean((out - mu) ** 2, axis=-1, keepdims=True)
    out = (out - mu) / jnp.sqrt(var + 1e-5) * ln_g + ln_b
    out = jax.nn.gelu(out, approximate=False)  # torch GELU (exact); dropout is identity in eval
    out = out + x  # residual (in_channels == out_channels)
    # gating (batch=None -> global mean over all nodes)
    xg = jnp.mean(x, axis=0, keepdims=True)
    pg = jnp.mean(pos, axis=0, keepdims=True)
    gi = jnp.concatenate([xg, pg], axis=-1)
    logits = jax.nn.relu(gi @ gate_W1.T + gate_b1) @ gate_W2.T + gate_b2
    gw = jax.nn.softmax(logits, axis=-1)  # [1, n_candidates=1]
    return gw[0, 0] * out

if __name__ == "__main__":
    import jax
    _d = setup_inputs()
    print(jax.jit(kernel)(*tuple(_d.values())))

</pallas_src>

<mosaic_0001>
module attributes {stable_mosaic.version = 14 : i64} {
  func.func @_post_kernel(%arg0: i32, %arg1: memref<1000x128xf32, #tpu.memory_space<vmem>>, %arg2: memref<1000x128xf32, #tpu.memory_space<vmem>>, %arg3: memref<128xf32, #tpu.memory_space<vmem>>, %arg4: memref<128xf32, #tpu.memory_space<vmem>>, %arg5: memref<1x1xf32, #tpu.memory_space<vmem>>, %arg6: memref<1000x128xf32, #tpu.memory_space<vmem>>) attributes {dimension_semantics = [#tpu.dimension_semantics<arbitrary>], iteration_bounds = array<i64: 10>, scalar_prefetch = 0 : i64, scratch_operands = 0 : i64, tpu.core_type = #tpu.core_type<tc>, window_params = [{transform_indices = @transform_0, window_bounds = array<i64: 1000, 128>}, {transform_indices = @transform_1, window_bounds = array<i64: 1000, 128>}, {pipeline_mode = #tpu.pipeline_mode<synchronous>, transform_indices = @transform_2, window_bounds = array<i64: 128>}, {pipeline_mode = #tpu.pipeline_mode<synchronous>, transform_indices = @transform_3, window_bounds = array<i64: 128>}, {pipeline_mode = #tpu.pipeline_mode<synchronous>, transform_indices = @transform_4, window_bounds = array<i64: 1, 1>}, {transform_indices = @transform_5, window_bounds = array<i64: 1000, 128>}]} {
    %get3A = arith.constant 0 : index
    %get3A_0 = arith.constant 0 : index
    %get3A_1 = vector.load %arg1[%get3A, %get3A_0] : memref<1000x128xf32, #tpu.memory_space<vmem>>, vector<1000x128xf32>
    %reduce_sum3A = arith.constant dense<0.000000e+00> : vector<1000xf32>
    %reduce_sum3A_2 = vector.multi_reduction <add>, %get3A_1, %reduce_sum3A [1] : vector<1000x128xf32> to vector<1000xf32>
    %broadcast_in_dim3A = vector.shape_cast %reduce_sum3A_2 : vector<1000xf32> to vector<1000x1xf32>
    %div3A = arith.constant 1.280000e+02 : f32
    %div3A_3 = vector.broadcast %div3A : f32 to vector<1000x1xf32>
    %div3A_4 = arith.divf %broadcast_in_dim3A, %div3A_3 : vector<1000x1xf32>
    %sub3A = vector.broadcast %div3A_4 : vector<1000x1xf32> to vector<1000x128xf32>
    %sub3A_5 = arith.subf %get3A_1, %sub3A : vector<1000x128xf32>
    %integer_pow3A = arith.mulf %sub3A_5, %sub3A_5 : vector<1000x128xf32>
    %reduce_sum3A_6 = arith.constant dense<0.000000e+00> : vector<1000xf32>
    %reduce_sum3A_7 = vector.multi_reduction <add>, %integer_pow3A, %reduce_sum3A_6 [1] : vector<1000x128xf32> to vector<1000xf32>
    %broadcast_in_dim3A_8 = vector.shape_cast %reduce_sum3A_7 : vector<1000xf32> to vector<1000x1xf32>
    %div3A_9 = arith.constant 1.280000e+02 : f32
    %div3A_10 = vector.broadcast %div3A_9 : f32 to vector<1000x1xf32>
    %div3A_11 = arith.divf %broadcast_in_dim3A_8, %div3A_10 : vector<1000x1xf32>
    %sub3A_12 = vector.broadcast %div3A_4 : vector<1000x1xf32> to vector<1000x128xf32>
    %sub3A_13 = arith.subf %get3A_1, %sub3A_12 : vector<1000x128xf32>
    %add3A = arith.constant 9.99999974E-6 : f32
    %add3A_14 = vector.broadcast %add3A : f32 to vector<1000x1xf32>
    %add3A_15 = arith.addf %div3A_11, %add3A_14 : vector<1000x1xf32>
    %sqrt3A = math.sqrt %add3A_15 : vector<1000x1xf32>
    %div3A_16 = vector.broadcast %sqrt3A : vector<1000x1xf32> to vector<1000x128xf32>
    %div3A_17 = arith.divf %sub3A_13, %div3A_16 : vector<1000x128xf32>
    %get3A_18 = arith.constant 0 : index
    %get3A_19 = vector.load %arg3[%get3A_18] : memref<128xf32, #tpu.memory_space<vmem>>, vector<128xf32>
    %broadcast_in_dim3A_20 = vector.shape_cast %get3A_19 : vector<128xf32> to vector<1x128xf32>
    %mul3A = vector.broadcast %broadcast_in_dim3A_20 : vector<1x128xf32> to vector<1000x128xf32>
    %mul3A_21 = arith.mulf %div3A_17, %mul3A : vector<1000x128xf32>
    %get3A_22 = arith.constant 0 : index
    %get3A_23 = vector.load %arg4[%get3A_22] : memref<128xf32, #tpu.memory_space<vmem>>, vector<128xf32>
    %broadcast_in_dim3A_24 = vector.shape_cast %get3A_23 : vector<128xf32> to vector<1x128xf32>
    %add3A_25 = vector.broadcast %broadcast_in_dim3A_24 : vector<1x128xf32> to vector<1000x128xf32>
    %add3A_26 = arith.addf %mul3A_21, %add3A_25 : vector<1000x128xf32>
    %mul3A_27 = arith.constant 5.000000e-01 : f32
    %mul3A_28 = vector.broadcast %mul3A_27 : f32 to vector<1000x128xf32>
    %mul3A_29 = arith.mulf %mul3A_28, %add3A_26 : vector<1000x128xf32>
    %mul3A_30 = arith.constant 0.707106769 : f32
    %mul3A_31 = vector.broadcast %mul3A_30 : f32 to vector<1000x128xf32>
    %mul3A_32 = arith.mulf %add3A_26, %mul3A_31 : vector<1000x128xf32>
    %erf3A = math.erf %mul3A_32 : vector<1000x128xf32>
    %add3A_33 = arith.constant 1.000000e+00 : f32
    %add3A_34 = vector.broadcast %add3A_33 : f32 to vector<1000x128xf32>
    %add3A_35 = arith.addf %add3A_34, %erf3A : vector<1000x128xf32>
    %mul3A_36 = arith.mulf %mul3A_29, %add3A_35 : vector<1000x128xf32>
    %get3A_37 = arith.constant 0 : index
    %get3A_38 = arith.constant 0 : index
    %get3A_39 = vector.load %arg2[%get3A_37, %get3A_38] : memref<1000x128xf32, #tpu.memory_space<vmem>>, vector<1000x128xf32>
    %add3A_40 = arith.addf %mul3A_36, %get3A_39 : vector<1000x128xf32>
    %get3A_41 = arith.constant 0 : index
    %get3A_42 = arith.constant 0 : index
    %get3A_43 = vector.load %arg5[%get3A_41, %get3A_42] : memref<1x1xf32, #tpu.memory_space<vmem>>, vector<1x1xf32>
    %get3A_44 = vector.extract %get3A_43[0, 0] : f32 from vector<1x1xf32>
    %mul3A_45 = vector.broadcast %get3A_44 : f32 to vector<1000x128xf32>
    %mul3A_46 = arith.mulf %mul3A_45, %add3A_40 : vector<1000x128xf32>
    %swap3A = arith.constant 0 : index
    %swap3A_47 = arith.constant 0 : index
    %swap3A_48 = vector.load %arg6[%swap3A, %swap3A_47] : memref<1000x128xf32, #tpu.memory_space<vmem>>, vector<1000x128xf32>
    tpu.vector_store %arg6[%swap3A, %swap3A_47], %mul3A_46 {strides = array<i32>} : memref<1000x128xf32, #tpu.memory_space<vmem>>, vector<1000x128xf32>,
    return
  }
  func.func @transform_0(%arg0: i32) -> (i32, i32) {
    %c0_i32 = arith.constant 0 : i32
    %c0_i32_0 = arith.constant 0 : i32
    return %arg0, %c0_i32 : i32, i32
  }
  func.func @transform_1(%arg0: i32) -> (i32, i32) {
    %c0_i32 = arith.constant 0 : i32
    %c0_i32_0 = arith.constant 0 : i32
    return %arg0, %c0_i32 : i32, i32
  }
  func.func @transform_2(%arg0: i32) -> i32 {
    %c0_i32 = arith.constant 0 : i32
    %c0_i32_0 = arith.constant 0 : i32
    return %c0_i32 : i32
  }
  func.func @transform_3(%arg0: i32) -> i32 {
    %c0_i32 = arith.constant 0 : i32
    %c0_i32_0 = arith.constant 0 : i32
    return %c0_i32 : i32
  }
  func.func @transform_4(%arg0: i32) -> (i32, i32) {
    %c0_i32 = arith.constant 0 : i32
    %c0_i32_0 = arith.constant 0 : i32
    %c0_i32_1 = arith.constant 0 : i32
    return %c0_i32, %c0_i32_0 : i32, i32
  }
  func.func @transform_5(%arg0: i32) -> (i32, i32) {
    %c0_i32 = arith.constant 0 : i32
    %c0_i32_0 = arith.constant 0 : i32
    return %arg0, %c0_i32 : i32, i32
  }
}

</mosaic_0001>

<sc_bundles>
// kernel: gather_offload_async_start
scs
__scs_entry_jumppad:
0x0: {  	(pc) =	sbr.rel $0x88, $3  }
0x1: {  	(tag) =	ssettag $0x0;
	lr =	simm.s32 $0x1  }
0x2: {  	[smem:$0x3F8E] =	sst lr;
	_ =	strace $0xD0000000  }
0x3: {  	_ = 	snop  }
0x4: {  	_ = 	snop  }
0x5: {  	_ = 	snop  }
0x6: {  	_ = 	snop  }
0x7: {  	_ = 	snop  }
__scs_overlays_trampoline_lowered:
0x8: {  	[smem:$0x3F9D] =	sst s0  }
0x9: {  	[smem:$0x3F9E] =	sst s1  }
0xa: {  	[smem:$0x3F9F] =	sst s2  }
0xb: {  	[smem:$0x3FA0] =	sst s3  }
0xc: {  	[smem:$0x3FA1] =	sst s4  }
0xd: {  	[smem:$0x3FA2] =	sst s5  }
0xe: {  	[smem:$0x3FA3] =	sst s6  }
0xf: {  	[smem:$0x3FA4] =	sst s7  }
0x10: {  	[smem:$0x3FA5] =	sst s8  }
0x11: {  	[smem:$0x3FA6] =	sst s9;
	s0 =	simm.s32 @!p0 $0x0  }
0x12: {  	s1 =	sld [smem:$0x3F8C];
	s0 =	simm.s32 @p0 $0x1  }
0x13: {  	[smem:$0x3FA7] =	sst s0;
	s0 =	simm.s32 @!p1 $0x0  }
0x14: {  	s2 =	sld [smem:$0x3F8B];
	s0 =	simm.s32 @p1 $0x1  }
0x15: {  	[smem:$0x3FA8] =	sst s0;
	s0 =	simm.s32 @!p2 $0x0  }
0x16: {  	s3 =	sld [smem:$0x3FDB];
	s0 =	simm.s32 @p2 $0x1  }
0x17: {  	s4 =	simm.s32 $0x1BF5;
	[smem:$0x3FAA] =	sst s0  }
0x18: {  	s0 =	sld [smem:$0x3F8D];
	_ =	swait.ge [sflag:s4], $0x0  }
0x19: {  	s7 =	sld [smem:$0x3F8E]  }
0x1a: {  	s8 =	sadd.s32 $0xFFFFE003, lr  }
0x1b: {  	s9 =	sadd.s32 $0xFFFFFEF7, lr;
	s5 =	simm.s32 $0xFFFFFFFF;
	p2 =	slt.u32 s8, $0xFFFFF086  }
0x1c: {  	p1 =	slt.u32 s9, $0xF7A;
	s5 =	simm.s32 @!p2 $0x0  }
0x1d: {  	s5 =	simm.s32 @p1 $0x1;
	p0 =	seq.s32 s7, s2  }
0x1e: {  	s7 =	smul.u32 @!p0 $0xF7A, s2;
	p2 =	seq.s32 @!p0 s5, $0x0  }
0x1f: {  	s9 =	smul.u32 $0xF7A, s1;
	s8 =	simm.s32 @!p0 $0x1BF5;
	p2 =	por !p2, p0  }
0x20: {  	[sflag:s8] =	ssyncset.s32 @!p0 $0xFFFFF086;
	s6 =	sadd.s32 @!p0 s3, s7;
	s7 =	simm.s32 @!p0 $0x108  }
0x21: {  	s3 =	sadd.s32 s3, s9;
	s6 =	sadd.s32 @!p0 $0x88, s6;
	s7 =	simm.s32 @p2 $0x1082  }
0x22: {  	[simem:s7], [sflag:s8] =	dma.local @!p0 [hbm:s6], $0xF7A  }
0x23: {  	s9 =	sor.u32 $0xD0000000, s2;
	s6 =	simm.s32 $0x108;
	_ =	swait.ge @!p0 [sflag:s8], $0x0  }
0x24: {  	s3 =	sadd.s32 $0x88, s3;
	s6 =	simm.s32 @!p1 $0x1082;
	[sflag:s4] =	ssyncset.s32 $0xFFFFF086  }
0x25: {  	[simem:s6], [sflag:s4] =	dma.local [hbm:s3], $0xF7A  }
0x26: {  	[smem:$0x3F8E] =	sst s1;
	(tag) =	ssettag s2;
	_ =	strace s9  }
0x27: {  	s1 =	sld [smem:$0x3F9E]  }
0x28: {  	s2 =	sld [smem:$0x3F9F]  }
0x29: {  	s4 =	sld [smem:$0x3FA1]  }
0x2a: {  	p0 =	seq.s32 s5, $0x0;
	s5 =	sld [smem:$0x3FA2]  }
0x2b: {  	s6 =	sld [smem:$0x3FA3]  }
0x2c: {  	s7 =	sld [smem:$0x3FA4]  }
0x2d: {  	s3 =	simm.s32 $0x108;
	s8 =	sld [smem:$0x3FA5]  }
0x2e: {  	s3 =	simm.s32 @!p0 $0x1082;
	s9 =	sld [smem:$0x3FA6]  }
0x2f: {  	lr =	sadd.s32 s0, s3;
	s0 =	sld [smem:$0x3F9D]  }
0x30: {  	s3 =	sld [smem:$0x3FA0]  }
0x31: {  	[smem:$0x3FA9] =	sst s10  }
0x32: {  	s10 =	sld [smem:$0x3FA7];
	_ =	sdelay $0x3  }
0x33: {  	p0 =	seq.s32 s10, $0x1;
	s10 =	sld [smem:$0x3FA9];
	_ =	sdelay $0x3  }
0x34: {  	[smem:$0x3FA9] =	sst s10  }
0x35: {  	s10 =	sld [smem:$0x3FA8];
	_ =	sdelay $0x3  }
0x36: {  	p1 =	seq.s32 s10, $0x1;
	s10 =	sld [smem:$0x3FA9];
	_ =	sdelay $0x3  }
0x37: {  	[smem:$0x3FA9] =	sst s10  }
0x38: {  	s10 =	sld [smem:$0x3FAA]  }
0x39: {  	_ = 	snop;
	(pc) =	sbr.ind lr, $3  }
0x3a: {  	_ = 	snop  }
0x3b: {  	_ = 	snop  }
0x3c: {  	p2 =	seq.s32 s10, $0x1;
	s10 =	sld [smem:$0x3FA9]  }
0x3d: {  	_ =	shalt  }
0x3e: {  	_ =	shalt  }
0x3f: {  	_ =	shalt  }
0x40: {  	_ =	shalt  }
0x41: {  	_ =	shalt  }
0x42: {  	_ =	shalt  }
0x43: {  	_ =	shalt  }
0x44: {  	_ =	shalt  }
0x45: {  	_ =	shalt  }
0x46: {  	_ =	shalt  }
0x47: {  	_ =	shalt  }
0x48: {  	_ =	shalt  }
0x49: {  	_ =	shalt  }
0x4a: {  	_ =	shalt  }
0x4b: {  	_ =	shalt  }
0x4c: {  	_ =	shalt  }
0x4d: {  	_ =	shalt  }
0x4e: {  	_ =	shalt  }
0x4f: {  	_ =	shalt  }
0x50: {  	_ =	shalt  }
0x51: {  	_ =	shalt  }
0x52: {  	_ =	shalt  }
0x53: {  	_ =	shalt  }
0x54: {  	_ =	shalt  }
0x55: {  	_ =	shalt  }
0x56: {  	_ =	shalt  }
0x57: {  	_ =	shalt  }
0x58: {  	_ =	shalt  }
0x59: {  	_ =	shalt  }
0x5a: {  	_ =	shalt  }
0x5b: {  	_ =	shalt  }
0x5c: {  	_ =	shalt  }
0x5d: {  	_ =	shalt  }
0x5e: {  	_ =	shalt  }
0x5f: {  	_ =	shalt  }
0x60: {  	_ =	shalt  }
0x61: {  	_ =	shalt  }
0x62: {  	_ =	shalt  }
0x63: {  	_ =	shalt  }
0x64: {  	_ =	shalt  }
0x65: {  	_ =	shalt  }
0x66: {  	_ =	shalt  }
0x67: {  	_ =	shalt  }
0x68: {  	_ =	shalt  }
0x69: {  	_ =	shalt  }
0x6a: {  	_ =	shalt  }
0x6b: {  	_ =	shalt  }
0x6c: {  	_ =	shalt  }
0x6d: {  	_ =	shalt  }
0x6e: {  	_ =	shalt  }
0x6f: {  	_ =	shalt  }
0x70: {  	_ =	shalt  }
0x71: {  	_ =	shalt  }
0x72: {  	_ =	shalt  }
0x73: {  	_ =	shalt  }
0x74: {  	_ =	shalt  }
0x75: {  	_ =	shalt  }
0x76: {  	_ =	shalt  }
0x77: {  	_ =	shalt  }
0x78: {  	_ =	shalt  }
0x79: {  	_ =	shalt  }
0x7a: {  	_ =	shalt  }
0x7b: {  	_ =	shalt  }
0x7c: {  	_ =	shalt  }
0x7d: {  	_ =	shalt  }
0x7e: {  	_ =	shalt  }
0x7f: {  	_ =	shalt  }
0x80: {  	_ =	shalt  }
0x81: {  	_ =	shalt  }
0x82: {  	_ =	shalt  }
0x83: {  	_ =	shalt  }
0x84: {  	_ =	shalt  }
0x85: {  	_ =	shalt  }
0x86: {  	_ =	shalt  }
0x87: {  	_ =	shalt  }
.Lfunc_end0:
.L_simem_size_0:
called_computation.3_lowered:
.L_overlay_start_0:
0x88: {  	s2 =	sld [smem:$0x3FD9]  }
0x89: {  	s3 =	sld [smem:$0x3FFE];
	_ =	sdelay $0x1  }
0x8a: {  	s1 =	srdreg.scid  }
0x8b: {  	s0 =	sand.u32 $0x1, s1  }
0x8c: {  	s17 =	sshll.u32 s0, $0xA;
	s2 =	sadd.s32 s3, s2  }
0x8d: {  	s2 =	sadd.s32 s2, s17  }
0x8e: {  	[smem:$0x3FB5] =	sst s2  }
0x8f: {  	_ = 	snop  }
0x90: {  	s2 =	sld [smem:$0x3FD0];
	(tm) =	ssettm $0x1  }
0x91: {  	s18 =	sld [smem:$0x3FFB];
	_ =	sdelay $0x3  }
0x92: {  	_ =	strace s18  }
0x93: {  	s3 =	sld [smem:$0x3FFC];
	_ =	sdelay $0x3  }
0x94: {  	_ =	strace s3  }
0x95: {  	s3 =	sld [smem:$0x3FFD];
	_ =	sdelay $0x3  }
0x96: {  	_ =	strace s3  }
0x97: {  	_ =	strace $0x8FFFFFFF  }
0x98: {  	s19 =	sld [smem:$0x3FDB];
	_ =	sdelay $0x1  }
0x99: {  	s4 =	simm.s32 $_scs_section_size  }
0x9a: {  	s5 =	simm.s32 $_size__tile_overlayer_lowered;
	s6 =	simm.s32 $_tile_overlayer_lowered  }
0x9b: {  	s22 =	simm.s32 $0x1BFF;
	s21 =	sshll.u32 s6, $0x1;
	s3 =	sadd.s32 s4, s19  }
0x9c: {  	s7 =	simm.s32 $0x0;
	s20 =	sshll.u32 s5, $0x1;
	s5 =	sadd.s32 s21, s3  }
0x9d: {  	[timem:s7], [sflag:s22] =	dma.local [hbm:s5], s20  }
0x9e: {  	_ =	swait.ge [sflag:s22], s20  }
0x9f: {  	s4 =	ssub.s32 $0x0, s20;
	[sflag:s22] =	ssyncset.done $0x0  }
0xa0: {  	[sflag:s22] =	ssyncadd.s32 s4;
	_ =	sdelay $0x1  }
0xa1: {  	s23 =	simm.s32 $0x1B8B  }
0xa2: {  	_ =	swait.ge [sflag:s23], $0x1  }
0xa3: {  	[sflag:s23] =	ssyncset.done $0x0  }
0xa4: {  	s25 =	simm.s32 $0x1B8E;
	s24 =	sld [smem:$0x3FFE];
	[sflag:s23] =	ssyncadd.s32 $0xFFFFFFFF  }
0xa5: {  	s26 =	simm.s32 $execute0_lowered;
	[smem:$0x3FD2] =	sst s25  }
0xa6: {  	s5 =	sshll.u32 s26, $0x1;
	_ =	strace $0x80000046;
	[dreg:$0x1] =	wrdreg $0xFFFFFFFF  }
0xa7: {  	s28 =	simm.s32 $_size_execute0_lowered;
	s3 =	sadd.s32 s3, s5;
	[dreg:$0x0] =	wrdreg $0x0  }
0xa8: {  	s5 =	sshll.u32 s28, $0x1;
	[dreg:$0x2] =	wrdreg s3  }
0xa9: {  	[dreg:$0x3] =	wrdreg s5  }
0xaa: {  	[dreg:$0x4] =	wrdreg $0xC0  }
0xab: {  	_ =	task [dreg:s7], $0x5FFFF  }
0xac: {  	[dreg:$0x1] =	wrdreg $0xFFFFFFFF  }
0xad: {  	[dreg:$0x0] =	wrdreg $0x60  }
0xae: {  	[dreg:$0x2] =	wrdreg s2  }
0xaf: {  	[dreg:$0x3] =	wrdreg s24  }
0xb0: {  	[dreg:$0x4] =	wrdreg $0x9  }
0xb1: {  	_ =	task.clear_ibuf [dreg:s7], $0x5FFFF;
	_ =	strace $0x90000046  }
0xb2: {  	s29 =	simm.s32 $0x9;
	_ =	strace $0x80000048  }
0xb3: {  	_ =	swait.ge [sflag:s29], $0x1  }
0xb4: {  	[sflag:s29] =	ssyncadd.s32 $0xFFFFFFFF  }
0xb5: {  	_ =	strace $0x90000048  }
0xb6: {  	_ =	sfence  }
0xb7: {  	s30 =	sld [smem:$0x0];
	_ =	sdelay $0x2  }
0xb8: {  	s31 =	sshll.u32 s1, $0xD;
	s1 =	sshrl.u32 s1, $0x2  }
0xb9: {  	s3 =	sand.u32 $0x4000, s31;
	s1 =	sadd.s32 s1, s30  }
0xba: {  	s0 =	sor.u32 s3, s0;
	s1 =	sshll.u32 s1, $0x11  }
0xbb: {  	s0 =	sor.u32 s1, s0  }
0xbc: {  	s0 =	sadd.s32 $0x8F2B, s0  }
0xbd: {  	[sflag:s0] =	ssyncadd.remote.s32 $0x1  }
0xbe: {  	_ =	sfence.sel $0xFFFF  }
0xbf: {  	[dreg:$0x0] =	wrdreg $0xFFFFFFFF;
	(pc) =	sbr.abs _section_cstart, $3  }
0xc0: {  	[dreg:$0x1] =	wrdreg $0xFFFFFFFF  }
0xc1: {  	_ =	task.clear_ibuf [dreg:s7], $0x2FFFF;
	_ =	strace $0x9FFFFFFF  }
0xc2: {  	(tm) =	ssettm $0x7FFFFFFF  }
0xc3: {  	_ =	shalt  }
tec
execute0_lowered:
.L_overlay_start_1:
0x0: {  	(tag) =	ssettag $0x1  }
0x1: {  	s2 =	rddreg [dreg:$0x0]  }
0x2: {  	s8 =	rddreg [dreg:$0x1]  }
0x3: {  	s0 =	rddreg [dreg:$0x2];
	s1 =	stileid.u32  }
0x4: {  	s3 =	srdreg.scid;
	_ =	strace $0x80000047;
	s4 =	simm.s32 $0x1  }
0x5: {  	s7 =	simm.s32 $0x1;
	s9 =	simm.s32 $0x1;
	s10 =	simm.s32 $0x3  }
0x6: {  	s13 =	simm.s32 $0x0;
	s5 =	sand.u32 $0x1, s3;
	s6 =	sshll.u32 s1, $0x1  }
0x7: {  	s12 =	simm.s32 $0x0;
	s3 =	sadd.s32 $0x7A00, s8;
	s5 =	sor.u32 s6, s5  }
.Ltmp0:
0x8: {  	[sflag:s4] =	ssyncpa.u1 $0x0;
	p0 =	slt.u32 s5, $0x13;
	(pc) =	sbr.rel .LBB2_1-.Ltmp0, $4  }
0x9: {  	s6 =	simm.s32 $0x2;
	s7 =	simm.s32 @!p0 $0x0;
	p0 =	sne.s32 s5, $0x12  }
0xa: {  	[sflag:s6] =	ssyncpa.u1 $0x0;
	s5 =	smul.u32 $0xFA0, s5;
	s9 =	simm.s32 @!p0 $0x0  }
0xb: {  	s8 =	sadd.s32 $0x3B000, s8;
	[sflag:s10] =	ssyncpa.u1 $0x0;
	s7 =	sadd.s32 s9, s7  }
0xc: {  	vm0 =	vmmov $0xffff;
	s10 =	simm.s32 $0x0;
	s11 =	smov.u32 s5;
	s9 =	sadd.s32 $0x1, s7  }
.LBB2_4:
0xd: {  	v5 =	vshrl.u32 v1, $0xE;
	v6 =	vshll.u32 v1, $0x7  }
0xe: {  	vm1 =	veq.s32 v1, $0x80000000;
	v58 =	vand.u32 $0x1F, v5;
	v59 =	vand.u32 $0x1FFF80, v6  }
0xf: {  	v1 =	vsel vm1, $0xFFFFFFFF, v58;
	v5 =	vsel vm1, $0xFFFFFF80, v59  }
0x10: {  	v3 =	vor.u32 v4, v3;
	v60 =	vand.u32 $0xFFFFFC00, v5;
	v61 =	vand.u32 $0xFFFFFC00, v1  }
0x11: {  	v2 =	vor.u32 v2, v3;
	v63 =	vand.u32 $0x380, v5;
	v62 =	vadd.s32 v61, v60  }
0x12: {  	v1 =	vand.u32 $0x7F, v1;
	v3 =	vor.u32 v63, v62  }
0x13: {  	v1 =	vor.u32 v1, v3  }
0x14: {  	[tilespmem:s17], [sflag:$0x1] =	stream.indirect_vreg.gather [hbm4b:s2+s10], $0x1, v0, vm0, $0x4038;
	[tilespmem:$0x3E80] =	vst v63  }
0x15: {  	(ifvalue) =	ssetifvalue $0x7FFFFFFF  }
0x16: {  	[tilespmem:s15], [sflag:$0x1] =	stream.indirect_vreg.gather [hbm4b:s2+s10], $0x1, v2, vm0, $0x4038;
	[tilespmem:$0x3E80] =	vst v63  }
0x17: {  	s29 =	sadd.s32 $0x10, s15;
	(ifvalue) =	ssetifvalue $0x7FFFFFFF  }
0x18: {  	[tilespmem:s29], [sflag:$0x1] =	stream.indirect_vreg.gather [hbm4b:s2+s10], $0x1, v1, vm0, $0x4038;
	[tilespmem:$0x3E80] =	vst v63  }
0x19: {  	_ =	swait.ge [sflag:s4], $0xFA0  }
0x1a: {  	s30 =	sshrl.u32 s13, $0x3;
	[sflag:s4] =	ssyncset.done $0x0  }
0x1b: {  	s31 =	sand.u32 $0x7, s13;
	s15 =	sadd.s32 s8, s30;
	[sflag:s4] =	ssyncadd.s32 $0xFFFFF060  }
0x1c: {  	[hbm4b:s15+s31] =	stream.linear.scatter [tilespmem:s14], [sflag:$0x3], $0xFA0, $0x38;
	[tilespmem:$0x3E80] =	vst v63  }
.LBB2_5:
0x1d: {  	s15 =	sadd.s32 $0x1F400, s11  }
0x1e: {  	p1 =	sgt.s32 s15, $0x30D3F  }
0x1f: {  	s15 =	smov.u32 @p1 s5;
	p1 =	sne.s32 s12, s9  }
.Ltmp1:
0x20: {  	p0 =	slt.u32 s12, $0x2;
	(pc) =	sbr.rel @!p1 .LBB2_6-.Ltmp1, $4  }
0x21: {  	s14 =	simm.s32 @!p0 $0x3  }
0x22: {  	_ =	swait.ge @!p0 [sflag:s14], $0xFA0  }
0x23: {  	s16 =	sadd.s32 $0x1, s12;
	s13 =	smov.u32 s11;
	[sflag:s14] =	ssyncset.done @!p0 $0x0  }
0x24: {  	s12 =	smov.u32 s16;
	s11 =	smov.u32 s15;
	[sflag:s14] =	ssyncadd.s32 @!p0 $0xFFFFF060  }
.LBB2_1:
0x25: {  	p0 =	sge.u32 s12, s7  }
0x26: {  	s14 =	sxor.u32 @!p0 $0x1, s12  }
0x27: {  	s14 =	smul.u32 @!p0 $0x3E80, s14  }
0x28: {  	s31 =	sadd.s32 $0xFFFFFFFF, s12;
	s15 =	sshrl.u32 @!p0 s11, $0x3  }
0x29: {  	s16 =	sand.u32 @!p0 $0x7, s11;
	s15 =	sadd.s32 @!p0 s3, s15;
	s14 =	sshra.s32 @!p0 s14, $0x2  }
0x2a: {  	[tilespmem:s14], [sflag:$0x2] =	stream.linear.gather @!p0 [hbm4b:s15+s16], $0xFA0, $0x38;
	[tilespmem:$0x3E80] =	vst v63  }
0x2b: {  	p0 =	sge.u32 s31, s7  }
.Ltmp2:
0x2c: {  	_ = 	snop;
	(pc) =	sbr.rel @p0 .LBB2_5-.Ltmp2, $1  }
0x2d: {  	_ =	sdelay $0x3  }
0x2e: {  	s14 =	sand.u32 $0x1, s12  }
0x2f: {  	_ =	swait.ge [sflag:s6], $0xFA0;
	p0 =	seq.s32 s14, $0x1;
	s14 =	simm.s32 $0xFA0  }
0x30: {  	[sflag:s6] =	ssyncset.done $0x0;
	s14 =	simm.s32 @!p0 $0x0  }
0x31: {  	[sflag:s6] =	ssyncadd.s32 $0xFFFFF060;
	(ifvalue) =	ssetifvalue $0x7FFFFFFF;
	v0 =	vld.msk [tilespmem:s14+$0x0 ss:$0x1], $0xffff;
	_ =	sdelay $0x4  }
0x32: {  	s15 =	sadd.s32 $0x10, s14;
	v2 =	vshrl.u32 v0, $0xE;
	v3 =	vshll.u32 v0, $0x7  }
0x33: {  	v1 =	vld.msk [tilespmem:s15+$0x0 ss:$0x1], $0xffff;
	vm1 =	veq.s32 v0, $0x80000000;
	v0 =	vand.u32 $0x1F, v2;
	v2 =	vand.u32 $0x1FFF80, v3  }
0x34: {  	v0 =	vsel vm1, $0xFFFFFFFF, v0;
	v2 =	vsel vm1, $0xFFFFFF80, v2  }
0x35: {  	v3 =	vand.u32 $0xFFFFFC00, v2;
	v4 =	vand.u32 $0xFFFFFC00, v0  }
0x36: {  	v2 =	vand.u32 $0x380, v2;
	v3 =	vadd.s32 v4, v3  }
0x37: {  	v0 =	vand.u32 $0x7F, v0;
	v2 =	vor.u32 v2, v3  }
0x38: {  	v5 =	vshll.u32 v1, $0x7;
	v4 =	vshrl.u32 v1, $0xE;
	v0 =	vor.u32 v0, v2  }
0x39: {  	vm1 =	veq.s32 v1, $0x80000000;
	v1 =	vand.u32 $0x1F, v4;
	v4 =	vand.u32 $0x1FFF80, v5  }
0x3a: {  	s14 =	sadd.s32 $0x1F40, s14;
	s15 =	sadd.s32 $0x10, s15;
	v3 =	vsel vm1, $0xFFFFFFFF, v1;
	v4 =	vsel vm1, $0xFFFFFF80, v4  }
0x3b: {  	s16 =	simm.s32 $0x20;
	s17 =	smov.u32 s14;
	v1 =	vld.msk [tilespmem:s15+$0x0 ss:$0x1], $0xffff;
	v5 =	vand.u32 $0xFFFFFC00, v4;
	v6 =	vand.u32 $0xFFFFFC00, v3  }
0x3c: {  	s18 =	sadd.s32 $0x10, s15;
	(ifvalue) =	ssetifvalue $0x7FFFFFFF;
	s15 =	sadd.s32 $0x10, s14;
	v2 =	vand.u32 $0x7F, v3;
	v4 =	vand.u32 $0x380, v4;
	v3 =	vadd.s32 v6, v5  }
.LBB2_3:
0x3d: {  	[tilespmem:s17], [sflag:$0x1] =	stream.indirect_vreg.gather [hbm4b:s2+s10], $0x1, v0, vm0, $0x4038;
	[tilespmem:$0x3E80] =	vst v63  }
0x3e: {  	s16 =	sadd.s32 $0x10, s16  }
0x3f: {  	v3 =	vor.u32 v4, v3;
	p0 =	slt.u32 s16, $0xF90  }
.Ltmp3:
0x40: {  	v4 =	vshrl.u32 v1, $0xE;
	v5 =	vshll.u32 v1, $0x7;
	s17 =	smov.u32 s15;
	v0 =	vor.u32 v2, v3;
	v2 =	vmovc v1;
	v1 =	vld.msk [tilespmem:s18+$0x0 ss:$0x1], $0xffff;
	(pc) =	sbr.rel @p0 .LBB2_3-.Ltmp3, $4  }
0x41: {  	v3 =	vand.u32 $0x1FFF80, v5;
	vm1 =	veq.s32 v2, $0x80000000;
	v2 =	vand.u32 $0x1F, v4  }
0x42: {  	v4 =	vsel vm1, $0xFFFFFFFF, v2;
	v5 =	vsel vm1, $0xFFFFFF80, v3  }
0x43: {  	v2 =	vand.u32 $0x7F, v4;
	v3 =	vand.u32 $0xFFFFFC00, v5;
	v4 =	vand.u32 $0xFFFFFC00, v4  }
0x44: {  	s15 =	sadd.s32 $0x10, s15;
	s18 =	sadd.s32 $0x10, s18;
	v3 =	vadd.s32 v4, v3;
	v4 =	vand.u32 $0x380, v5;
	(ifvalue) =	ssetifvalue $0x7FFFFFFF  }
.Ltmp4:
0x45: {  	_ = 	snop;
	(pc) =	sbr.rel .LBB2_4-.Ltmp4, $1  }
0x46: {  	_ =	sdelay $0x3  }
.LBB2_6:
0x47: {  	_ =	sfence.sel $0x180000  }
0x48: {  	s2 =	simm.s32 $0x2;
	[bflag:$0x0] =	sbarrier.arrive $0xFFFF  }
0x49: {  	s30 =	simm.s32 $0x3;
	[sflag:s2] =	ssyncpa.u1 $0x1  }
0x4a: {  	s31 =	simm.s32 $0x1;
	[sflag:s30] =	ssyncpa.u1 $0x1  }
0x4b: {  	[sflag:s31] =	ssyncpa.u1 $0x1  }
0x4c: {  	p0 =	sne.s32 s1, $0x0;
	_ =	strace $0x90000047  }
0x4d: {  	s0 =	sadd.s32 @!p0 $0x100000, s0;
	[bflag:$0x2] =	sbarrier.arrive $0xFFFF  }
0x4e: {  	[sflag:s0] =	ssyncadd.tile.s32 @!p0 $0x1;
	_ =	shalt  }
.Lfunc_end2:
_tile_overlayer_lowered:
.L_overlay_start_2:
0x4f: {  	(tag) =	ssettag $0x2  }
0x50: {  	s0 =	rddreg [dreg:$0x0];
	s2 =	stileid.u32  }
0x51: {  	s1 =	rddreg [dreg:$0x1];
	p0 =	sne.s32 s2, $0x0  }
0x52: {  	s3 =	rddreg [dreg:$0x2];
	[bflag:$0x3] =	sbarrier.arrive $0xFFFF;
	s2 =	simm.s32 @!p0 $0x1C01  }
0x53: {  	[timem:s3], [sflag:s2] =	dma.local @!p0 [hbm:s0], s1  }
0x54: {  	s0 =	simm.s32 @!p0 $0x1  }
0x55: {  	_ =	swait.ge @!p0 [sflag:s0], s1  }
0x56: {  	s1 =	ssub.s32 @!p0 $0x0, s1;
	[sflag:s0] =	ssyncset.done @!p0 $0x0  }
0x57: {  	[sflag:s0] =	ssyncadd.s32 @!p0 s1  }
0x58: {  	[bflag:$0x3] =	sbarrier.arrive $0xFFFF  }
0x59: {  	_ =	shalt  }

// kernel: scatter_offload_async_start.1
scs
__scs_entry_jumppad:
0x0: {  	(pc) =	sbr.rel $0x88, $3  }
0x1: {  	(tag) =	ssettag $0x0;
	lr =	simm.s32 $0x1  }
0x2: {  	[smem:$0x3F8E] =	sst lr;
	_ =	strace $0xD0000000  }
0x3: {  	_ = 	snop  }
0x4: {  	_ = 	snop  }
0x5: {  	_ = 	snop  }
0x6: {  	_ = 	snop  }
0x7: {  	_ = 	snop  }
__scs_overlays_trampoline_lowered:
0x8: {  	[smem:$0x3F9D] =	sst s0  }
0x9: {  	[smem:$0x3F9E] =	sst s1  }
0xa: {  	[smem:$0x3F9F] =	sst s2  }
0xb: {  	[smem:$0x3FA0] =	sst s3  }
0xc: {  	[smem:$0x3FA1] =	sst s4  }
0xd: {  	[smem:$0x3FA2] =	sst s5  }
0xe: {  	[smem:$0x3FA3] =	sst s6  }
0xf: {  	[smem:$0x3FA4] =	sst s7  }
0x10: {  	[smem:$0x3FA5] =	sst s8  }
0x11: {  	[smem:$0x3FA6] =	sst s9;
	s0 =	simm.s32 @!p0 $0x0  }
0x12: {  	s1 =	sld [smem:$0x3F8C];
	s0 =	simm.s32 @p0 $0x1  }
0x13: {  	[smem:$0x3FA7] =	sst s0;
	s0 =	simm.s32 @!p1 $0x0  }
0x14: {  	s2 =	sld [smem:$0x3F8B];
	s0 =	simm.s32 @p1 $0x1  }
0x15: {  	[smem:$0x3FA8] =	sst s0;
	s0 =	simm.s32 @!p2 $0x0  }
0x16: {  	s3 =	sld [smem:$0x3FDB];
	s0 =	simm.s32 @p2 $0x1  }
0x17: {  	s4 =	simm.s32 $0x1BF5;
	[smem:$0x3FAA] =	sst s0  }
0x18: {  	s0 =	sld [smem:$0x3F8D];
	_ =	swait.ge [sflag:s4], $0x0  }
0x19: {  	s7 =	sld [smem:$0x3F8E]  }
0x1a: {  	s8 =	sadd.s32 $0xFFFFE003, lr  }
0x1b: {  	s9 =	sadd.s32 $0xFFFFFEF7, lr;
	s5 =	simm.s32 $0xFFFFFFFF;
	p2 =	slt.u32 s8, $0xFFFFF086  }
0x1c: {  	p1 =	slt.u32 s9, $0xF7A;
	s5 =	simm.s32 @!p2 $0x0  }
0x1d: {  	s5 =	simm.s32 @p1 $0x1;
	p0 =	seq.s32 s7, s2  }
0x1e: {  	s7 =	smul.u32 @!p0 $0xF7A, s2;
	p2 =	seq.s32 @!p0 s5, $0x0  }
0x1f: {  	s9 =	smul.u32 $0xF7A, s1;
	s8 =	simm.s32 @!p0 $0x1BF5;
	p2 =	por !p2, p0  }
0x20: {  	[sflag:s8] =	ssyncset.s32 @!p0 $0xFFFFF086;
	s6 =	sadd.s32 @!p0 s3, s7;
	s7 =	simm.s32 @!p0 $0x108  }
0x21: {  	s3 =	sadd.s32 s3, s9;
	s6 =	sadd.s32 @!p0 $0x88, s6;
	s7 =	simm.s32 @p2 $0x1082  }
0x22: {  	[simem:s7], [sflag:s8] =	dma.local @!p0 [hbm:s6], $0xF7A  }
0x23: {  	s9 =	sor.u32 $0xD0000000, s2;
	s6 =	simm.s32 $0x108;
	_ =	swait.ge @!p0 [sflag:s8], $0x0  }
0x24: {  	s3 =	sadd.s32 $0x88, s3;
	s6 =	simm.s32 @!p1 $0x1082;
	[sflag:s4] =	ssyncset.s32 $0xFFFFF086  }
0x25: {  	[simem:s6], [sflag:s4] =	dma.local [hbm:s3], $0xF7A  }
0x26: {  	[smem:$0x3F8E] =	sst s1;
	(tag) =	ssettag s2;
	_ =	strace s9  }
0x27: {  	s1 =	sld [smem:$0x3F9E]  }
0x28: {  	s2 =	sld [smem:$0x3F9F]  }
0x29: {  	s4 =	sld [smem:$0x3FA1]  }
0x2a: {  	p0 =	seq.s32 s5, $0x0;
	s5 =	sld [smem:$0x3FA2]  }
0x2b: {  	s6 =	sld [smem:$0x3FA3]  }
0x2c: {  	s7 =	sld [smem:$0x3FA4]  }
0x2d: {  	s3 =	simm.s32 $0x108;
	s8 =	sld [smem:$0x3FA5]  }
0x2e: {  	s3 =	simm.s32 @!p0 $0x1082;
	s9 =	sld [smem:$0x3FA6]  }
0x2f: {  	lr =	sadd.s32 s0, s3;
	s0 =	sld [smem:$0x3F9D]  }
0x30: {  	s3 =	sld [smem:$0x3FA0]  }
0x31: {  	[smem:$0x3FA9] =	sst s10  }
0x32: {  	s10 =	sld [smem:$0x3FA7];
	_ =	sdelay $0x3  }
0x33: {  	p0 =	seq.s32 s10, $0x1;
	s10 =	sld [smem:$0x3FA9];
	_ =	sdelay $0x3  }
0x34: {  	[smem:$0x3FA9] =	sst s10  }
0x35: {  	s10 =	sld [smem:$0x3FA8];
	_ =	sdelay $0x3  }
0x36: {  	p1 =	seq.s32 s10, $0x1;
	s10 =	sld [smem:$0x3FA9];
	_ =	sdelay $0x3  }
0x37: {  	[smem:$0x3FA9] =	sst s10  }
0x38: {  	s10 =	sld [smem:$0x3FAA]  }
0x39: {  	_ = 	snop;
	(pc) =	sbr.ind lr, $3  }
0x3a: {  	_ = 	snop  }
0x3b: {  	_ = 	snop  }
0x3c: {  	p2 =	seq.s32 s10, $0x1;
	s10 =	sld [smem:$0x3FA9]  }
0x3d: {  	_ =	shalt  }
0x3e: {  	_ =	shalt  }
0x3f: {  	_ =	shalt  }
0x40: {  	_ =	shalt  }
0x41: {  	_ =	shalt  }
0x42: {  	_ =	shalt  }
0x43: {  	_ =	shalt  }
0x44: {  	_ =	shalt  }
0x45: {  	_ =	shalt  }
0x46: {  	_ =	shalt  }
0x47: {  	_ =	shalt  }
0x48: {  	_ =	shalt  }
0x49: {  	_ =	shalt  }
0x4a: {  	_ =	shalt  }
0x4b: {  	_ =	shalt  }
0x4c: {  	_ =	shalt  }
0x4d: {  	_ =	shalt  }
0x4e: {  	_ =	shalt  }
0x4f: {  	_ =	shalt  }
0x50: {  	_ =	shalt  }
0x51: {  	_ =	shalt  }
0x52: {  	_ =	shalt  }
0x53: {  	_ =	shalt  }
0x54: {  	_ =	shalt  }
0x55: {  	_ =	shalt  }
0x56: {  	_ =	shalt  }
0x57: {  	_ =	shalt  }
0x58: {  	_ =	shalt  }
0x59: {  	_ =	shalt  }
0x5a: {  	_ =	shalt  }
0x5b: {  	_ =	shalt  }
0x5c: {  	_ =	shalt  }
0x5d: {  	_ =	shalt  }
0x5e: {  	_ =	shalt  }
0x5f: {  	_ =	shalt  }
0x60: {  	_ =	shalt  }
0x61: {  	_ =	shalt  }
0x62: {  	_ =	shalt  }
0x63: {  	_ =	shalt  }
0x64: {  	_ =	shalt  }
0x65: {  	_ =	shalt  }
0x66: {  	_ =	shalt  }
0x67: {  	_ =	shalt  }
0x68: {  	_ =	shalt  }
0x69: {  	_ =	shalt  }
0x6a: {  	_ =	shalt  }
0x6b: {  	_ =	shalt  }
0x6c: {  	_ =	shalt  }
0x6d: {  	_ =	shalt  }
0x6e: {  	_ =	shalt  }
0x6f: {  	_ =	shalt  }
0x70: {  	_ =	shalt  }
0x71: {  	_ =	shalt  }
0x72: {  	_ =	shalt  }
0x73: {  	_ =	shalt  }
0x74: {  	_ =	shalt  }
0x75: {  	_ =	shalt  }
0x76: {  	_ =	shalt  }
0x77: {  	_ =	shalt  }
0x78: {  	_ =	shalt  }
0x79: {  	_ =	shalt  }
0x7a: {  	_ =	shalt  }
0x7b: {  	_ =	shalt  }
0x7c: {  	_ =	shalt  }
0x7d: {  	_ =	shalt  }
0x7e: {  	_ =	shalt  }
0x7f: {  	_ =	shalt  }
0x80: {  	_ =	shalt  }
0x81: {  	_ =	shalt  }
0x82: {  	_ =	shalt  }
0x83: {  	_ =	shalt  }
0x84: {  	_ =	shalt  }
0x85: {  	_ =	shalt  }
0x86: {  	_ =	shalt  }
0x87: {  	_ =	shalt  }
.Lfunc_end0:
.L_simem_size_0:
called_computation.1_lowered:
.L_overlay_start_0:
0x88: {  	s0 =	sld [smem:$0x3FD9]  }
0x89: {  	s1 =	sld [smem:$0x3FFE];
	_ =	sdelay $0x3  }
0x8a: {  	s0 =	sadd.s32 s1, s0  }
0x8b: {  	[smem:$0x3FB5] =	sst s0  }
0x8c: {  	_ = 	snop  }
0x8d: {  	s14 =	sld [smem:$0x3FD0];
	(tm) =	ssettm $0x1  }
0x8e: {  	s15 =	sld [smem:$0x3FFB];
	_ =	sdelay $0x3  }
0x8f: {  	_ =	strace s15  }
0x90: {  	s0 =	sld [smem:$0x3FFC];
	_ =	sdelay $0x3  }
0x91: {  	_ =	strace s0  }
0x92: {  	s0 =	sld [smem:$0x3FFD];
	_ =	sdelay $0x3  }
0x93: {  	_ =	strace s0  }
0x94: {  	_ =	strace $0x8FFFFFFF  }
0x95: {  	s16 =	sld [smem:$0x3FDB];
	_ =	sdelay $0x1  }
0x96: {  	s2 =	simm.s32 $_scs_section_size  }
0x97: {  	s3 =	simm.s32 $_size__tile_overlayer_lowered;
	s4 =	simm.s32 $_tile_overlayer_lowered  }
0x98: {  	s5 =	simm.s32 $0x1BFF;
	s17 =	sshll.u32 s4, $0x1;
	s2 =	sadd.s32 s2, s16  }
0x99: {  	s18 =	simm.s32 $0x0;
	s3 =	sshll.u32 s3, $0x1;
	s4 =	sadd.s32 s17, s2  }
0x9a: {  	[timem:s18], [sflag:s5] =	dma.local [hbm:s4], s3  }
0x9b: {  	_ =	swait.ge [sflag:s5], s3  }
0x9c: {  	s3 =	ssub.s32 $0x0, s3;
	[sflag:s5] =	ssyncset.done $0x0  }
0x9d: {  	[sflag:s5] =	ssyncadd.s32 s3;
	_ =	sdelay $0x1  }
0x9e: {  	s19 =	simm.s32 $0x1B8B  }
0x9f: {  	_ =	swait.ge [sflag:s19], $0x1  }
0xa0: {  	[sflag:s19] =	ssyncset.done $0x0  }
0xa1: {  	s21 =	simm.s32 $0x1B8E;
	s20 =	sld [smem:$0x3FFE];
	[sflag:s19] =	ssyncadd.s32 $0xFFFFFFFF  }
0xa2: {  	s22 =	simm.s32 $execute0_lowered;
	[smem:$0x3FD2] =	sst s21  }
0xa3: {  	s4 =	sshll.u32 s22, $0x1;
	_ =	strace $0x8000004C;
	[dreg:$0x1] =	wrdreg $0xFFFFFFFF  }
0xa4: {  	s23 =	simm.s32 $_size_execute0_lowered;
	s4 =	sadd.s32 s2, s4;
	[dreg:$0x0] =	wrdreg $0x0  }
0xa5: {  	s5 =	sshll.u32 s23, $0x1;
	[dreg:$0x2] =	wrdreg s4  }
0xa6: {  	[dreg:$0x3] =	wrdreg s5  }
0xa7: {  	[dreg:$0x4] =	wrdreg $0xC0  }
0xa8: {  	s24 =	simm.s32 $execute1_lowered;
	_ =	task [dreg:s18], $0x5FFFF  }
0xa9: {  	s4 =	sshll.u32 s24, $0x1;
	[dreg:$0x1] =	wrdreg $0xFFFFFFFF  }
0xaa: {  	s2 =	sadd.s32 s2, s4;
	[dreg:$0x0] =	wrdreg $0x60  }
0xab: {  	[dreg:$0x2] =	wrdreg s2  }
0xac: {  	[dreg:$0x3] =	wrdreg s14  }
0xad: {  	[dreg:$0x4] =	wrdreg s20  }
0xae: {  	[dreg:$0x5] =	wrdreg $0x9  }
0xaf: {  	_ =	task.clear_ibuf [dreg:s18], $0x6FFFF;
	_ =	strace $0x9000004C  }
0xb0: {  	s25 =	simm.s32 $0x9;
	_ =	strace $0x8000004E  }
0xb1: {  	_ =	swait.ge [sflag:s25], $0x1  }
0xb2: {  	[sflag:s25] =	ssyncadd.s32 $0xFFFFFFFF  }
0xb3: {  	_ =	strace $0x9000004E  }
0xb4: {  	_ =	strace $0x8000004F;
	[dreg:$0x1] =	wrdreg $0xFFFFFFFF  }
0xb5: {  	[dreg:$0x0] =	wrdreg $0x2030  }
0xb6: {  	[dreg:$0x2] =	wrdreg s20  }
0xb7: {  	[dreg:$0x3] =	wrdreg $0xA  }
0xb8: {  	_ =	task.clear_ibuf [dreg:s18], $0x4FFFF;
	_ =	strace $0x9000004F  }
0xb9: {  	s26 =	simm.s32 $0xA;
	_ =	strace $0x80000051  }
0xba: {  	_ =	swait.ge [sflag:s26], $0x1  }
0xbb: {  	[sflag:s26] =	ssyncadd.s32 $0xFFFFFFFF  }
0xbc: {  	_ =	strace $0x90000051  }
0xbd: {  	_ =	sfence  }
0xbe: {  	s28 =	sld [smem:$0x0];
	_ =	sdelay $0x1  }
0xbf: {  	s29 =	srdreg.scid  }
0xc0: {  	s30 =	sshll.u32 s29, $0xD;
	s31 =	sshrl.u32 s29, $0x2  }
0xc1: {  	s3 =	sand.u32 $0x4000, s30;
	s2 =	sand.u32 $0x1, s29;
	s1 =	sadd.s32 s31, s28  }
0xc2: {  	s2 =	sor.u32 s3, s2;
	s1 =	sshll.u32 s1, $0x11  }
0xc3: {  	s1 =	sor.u32 s1, s2  }
0xc4: {  	s1 =	sadd.s32 $0x8F2B, s1  }
0xc5: {  	[sflag:s1] =	ssyncadd.remote.s32 $0x1  }
0xc6: {  	_ =	sfence.sel $0xFFFF  }
0xc7: {  	[dreg:$0x0] =	wrdreg $0xFFFFFFFF;
	(pc) =	sbr.abs _section_cstart, $3  }
0xc8: {  	[dreg:$0x1] =	wrdreg $0xFFFFFFFF  }
0xc9: {  	_ =	task.clear_ibuf [dreg:s18], $0x2FFFF;
	_ =	strace $0x9FFFFFFF  }
0xca: {  	(tm) =	ssettm $0x7FFFFFFF  }
0xcb: {  	_ =	shalt  }
tec
execute0_lowered:
.L_overlay_start_1:
0x0: {  	(tag) =	ssettag $0x1  }
0x1: {  	s3 =	rddreg [dreg:$0x0]  }
0x2: {  	s2 =	rddreg [dreg:$0x1]  }
0x3: {  	s4 =	rddreg [dreg:$0x2]  }
0x4: {  	s0 =	rddreg [dreg:$0x3];
	s5 =	stileid.u32;
	[bflag:$0x3] =	sbarrier.arrive $0xFFFF  }
0x5: {  	s1 =	simm.s32 $_size_execute1_lowered;
	s31 =	simm.s32 $0x2;
	p0 =	sne.s32 s5, $0x0  }
0x6: {  	s1 =	sshll.u32 s1, $0x1;
	s6 =	simm.s32 @!p0 $0x1C3F;
	s7 =	simm.s32 @!p0 $0x4060  }
0x7: {  	[timem:s7], [sflag:s6] =	dma.local @!p0 [hbm:s3], s1  }
.Ltmp0:
0x8: {  	s8 =	simm.s32 $0x0;
	s12 =	simm.s32 $0x0;
	(pc) =	sbr.rel .LBB2_1-.Ltmp0, $4  }
0x9: {  	s10 =	simm.s32 $0x0;
	s11 =	simm.s32 $0x0;
	s3 =	sshll.u32 s5, $0x7  }
0xa: {  	s5 =	simm.s32 $0x1;
	_ =	strace $0x8000004D;
	s30 =	ssub.s32 $0x2700, s3  }
0xb: {  	s4 =	sadd.s32 $0x34E800, s4;
	[sflag:s5] =	ssyncpa.u1 $0x0;
	s6 =	sshrl.u32 s30, $0xB  }
0xc: {  	s9 =	smov.u32 s3;
	[sflag:s31] =	ssyncpa.u1 $0x0;
	s7 =	sadd.s32 $0x2, s6  }
.LBB2_4:
0xd: {  	_ = 	snop  }
.LBB2_7:
0xe: {  	_ =	sdelay $0x3  }
0xf: {  	[tilespmem:v0+s16+$0x0 ss:$0x1] =	vst.idx.msk @p1 $0xffff, v2  }
0x10: {  	v56 =	vld.idx.msk [tilespmem:v1+s15+$0x0 ss:$0x1], $0xffff;
	s24 =	sor.u32 $0x70, s15;
	[tilespmem:v0+s17+$0x0 ss:$0x1] =	vst.idx.msk @p1 $0xffff, v4  }
0x11: {  	s25 =	sor.u32 $0x10, s15;
	[tilespmem:v0+s18+$0x0 ss:$0x1] =	vst.idx.msk @p1 $0xffff, v3;
	v57 =	vld.idx.msk [tilespmem:v1+s24+$0x0 ss:$0x1], $0xffff  }
0x12: {  	s26 =	sor.u32 $0x20, s15;
	[tilespmem:v0+s19+$0x0 ss:$0x1] =	vst.idx.msk @p1 $0xffff, v5;
	v58 =	vld.idx.msk [tilespmem:v1+s25+$0x0 ss:$0x1], $0xffff  }
0x13: {  	s28 =	sor.u32 $0x30, s15;
	[tilespmem:v0+s20+$0x0 ss:$0x1] =	vst.idx.msk @p1 $0xffff, v6;
	v59 =	vld.idx.msk [tilespmem:v1+s26+$0x0 ss:$0x1], $0xffff  }
0x14: {  	s29 =	sor.u32 $0x40, s15;
	[tilespmem:v0+s21+$0x0 ss:$0x1] =	vst.idx.msk @p1 $0xffff, v7;
	v60 =	vld.idx.msk [tilespmem:v1+s28+$0x0 ss:$0x1], $0xffff  }
0x15: {  	s30 =	sor.u32 $0x50, s15;
	v61 =	vld.idx.msk [tilespmem:v1+s29+$0x0 ss:$0x1], $0xffff;
	[tilespmem:v0+s15+$0x0 ss:$0x1] =	vst.idx.msk $0xffff, v56  }
0x16: {  	s31 =	sor.u32 $0x60, s15;
	v62 =	vld.idx.msk [tilespmem:v1+s30+$0x0 ss:$0x1], $0xffff;
	[tilespmem:v0+s24+$0x0 ss:$0x1] =	vst.idx.msk $0xffff, v57  }
0x17: {  	v63 =	vld.idx.msk [tilespmem:v1+s31+$0x0 ss:$0x1], $0xffff;
	[tilespmem:v0+s25+$0x0 ss:$0x1] =	vst.idx.msk $0xffff, v58  }
0x18: {  	[tilespmem:v0+s26+$0x0 ss:$0x1] =	vst.idx.msk $0xffff, v59  }
0x19: {  	[tilespmem:v0+s28+$0x0 ss:$0x1] =	vst.idx.msk $0xffff, v60  }
0x1a: {  	[tilespmem:v0+s29+$0x0 ss:$0x1] =	vst.idx.msk $0xffff, v61  }
0x1b: {  	[tilespmem:v0+s30+$0x0 ss:$0x1] =	vst.idx.msk $0xffff, v62  }
0x1c: {  	[tilespmem:v0+s31+$0x0 ss:$0x1] =	vst.idx.msk $0xffff, v63  }
.LBB2_8:
0x1d: {  	s15 =	sand.u32 $0x1FFFFFF, s10  }
0x1e: {  	s16 =	smulhi.u32 $0x1A36E2F, s15;
	_ =	sdelay $0x1  }
0x1f: {  	s16 =	sshrl.u32 s16, $0x6  }
0x20: {  	s16 =	smul.u32 $0x2710, s16;
	_ =	sdelay $0x1  }
0x21: {  	s15 =	ssub.s32 s15, s16  }
0x22: {  	s15 =	sshll.u32 s15, $0x4  }
0x23: {  	s15 =	sadd.s32 s4, s15  }
0x24: {  	[hbm4b:s15+s8] =	stream.linear.scatter [tilespmem:s14], [sflag:$0x2], s13, $0x38;
	[tilespmem:$0x10000] =	vst v63  }
.LBB2_9:
0x25: {  	p1 =	slt.u32 s11, $0x2  }
0x26: {  	p2 =	sgt.s32 @!p1 s12, $0x2690  }
0x27: {  	s13 =	smov.u32 s12;
	s14 =	sshra.s32 @!p1 s12, $0x1F;
	p2 =	por !p2, p1  }
0x28: {  	s12 =	sand.u32 @!p1 s14, s12;
	s13 =	simm.s32 @p2 $0x2690  }
0x29: {  	s12 =	ssub.s32 @!p1 s13, s12  }
0x2a: {  	s12 =	sadd.s32 @!p1 $0xFFFFD970, s12  }
0x2b: {  	s13 =	sshll.u32 @!p1 s12, $0x9  }
0x2c: {  	p2 =	sgt.s32 @!p1 s12, $0x7F;
	s12 =	ssub.s32 @!p1 $0x10000, s13  }
0x2d: {  	s14 =	sadd.s32 $0x800, s9;
	p2 =	por !p2, p1;
	s12 =	sshrl.u32 @!p1 s12, $0x2  }
0x2e: {  	s12 =	simm.s32 @!p2 $0x0;
	p2 =	sgt.s32 s14, $0x270F  }
0x2f: {  	s14 =	smov.u32 @p2 s3;
	p2 =	sne.s32 s11, s7  }
.Ltmp1:
0x30: {  	_ = 	snop;
	(pc) =	sbr.rel @!p2 .LBB2_10-.Ltmp1, $4  }
0x31: {  	s13 =	simm.s32 @!p1 $0x2  }
0x32: {  	_ =	swait.ge @!p1 [sflag:s13], s12;
	s15 =	ssub.s32 @!p1 $0x0, s12  }
0x33: {  	s12 =	smov.u32 s10;
	s11 =	sadd.s32 $0x1, s11;
	[sflag:s13] =	ssyncset.done @!p1 $0x0  }
0x34: {  	s10 =	smov.u32 s9;
	s9 =	smov.u32 s14;
	[sflag:s13] =	ssyncadd.s32 @!p1 s15  }
.LBB2_1:
0x35: {  	p1 =	sgt.u32 s11, s6  }
0x36: {  	s13 =	sand.u32 @!p1 $0x1FFFFFF, s9  }
0x37: {  	p2 =	sgt.s32 @!p1 s9, $0x2690;
	s14 =	smulhi.u32 @!p1 $0x1A36E2F, s13  }
0x38: {  	s15 =	smov.u32 s9;
	s16 =	sshra.s32 @!p1 s9, $0x1F;
	p2 =	por !p2, p1  }
0x39: {  	s16 =	sand.u32 @!p1 s16, s9;
	s15 =	simm.s32 @p2 $0x2690;
	s14 =	sshrl.u32 @!p1 s14, $0x6  }
0x3a: {  	s15 =	ssub.s32 @!p1 s15, s16;
	s14 =	smul.u32 @!p1 $0x2710, s14  }
0x3b: {  	s16 =	sxor.u32 @!p1 $0xFFFFFFFF, s11;
	s15 =	sadd.s32 @!p1 $0xFFFFD970, s15  }
0x3c: {  	s16 =	sshll.u32 @!p1 s16, $0xE;
	s13 =	ssub.s32 @!p1 s13, s14;
	s14 =	sshll.u32 @!p1 s15, $0x9  }
0x3d: {  	s16 =	sand.u32 @!p1 $0x4000, s16;
	p2 =	sgt.s32 @!p1 s15, $0x7F;
	s14 =	ssub.s32 @!p1 $0x10000, s14  }
0x3e: {  	p2 =	por !p2, p1;
	s13 =	sshll.u32 @!p1 s13, $0x4;
	s14 =	sshrl.u32 @!p1 s14, $0x2  }
0x3f: {  	s15 =	simm.s32 @!p1 $0x0;
	s13 =	sadd.s32 @!p1 s2, s13;
	s14 =	simm.s32 @!p2 $0x0  }
0x40: {  	[tilespmem:s16], [sflag:$0x1] =	stream.linear.gather @!p1 [hbm4b:s13+s15], s14, $0x38;
	[tilespmem:$0x10000] =	vst v63  }
0x41: {  	p1 =	seq.s32 s11, $0x0  }
0x42: {  	p2 =	sge.u32 @!p1 s11, s7  }
0x43: {  	p1 =	por p1, p2  }
.Ltmp2:
0x44: {  	_ = 	snop;
	(pc) =	sbr.rel @p1 .LBB2_9-.Ltmp2, $1  }
0x45: {  	_ =	sdelay $0x3  }
0x46: {  	p1 =	sgt.s32 s10, $0x2690;
	s13 =	smov.u32 s10;
	s14 =	sshra.s32 s10, $0x1F  }
0x47: {  	s13 =	simm.s32 @!p1 $0x2690;
	s14 =	sand.u32 s14, s10  }
0x48: {  	s13 =	ssub.s32 s13, s14  }
0x49: {  	s13 =	sadd.s32 $0xFFFFD970, s13  }
0x4a: {  	s31 =	sshll.u32 s13, $0x9  }
0x4b: {  	s14 =	ssub.s32 $0x10000, s31  }
0x4c: {  	p1 =	sgt.s32 s13, $0x7F;
	s13 =	sshrl.u32 s14, $0x2;
	s14 =	sadd.s32 $0x80, s10  }
0x4d: {  	s13 =	simm.s32 @p1 $0x0;
	p1 =	slt.s32 s14, $0x2710  }
0x4e: {  	s14 =	simm.s32 @!p1 $0x2710  }
0x4f: {  	s16 =	ssub.s32 s14, s10  }
0x50: {  	p1 =	slt.s32 s16, $0x1  }
.Ltmp3:
0x51: {  	_ = 	snop;
	(pc) =	sbr.rel @p1 .LBB2_8-.Ltmp3, $4  }
0x52: {  	_ = 	snop  }
0x53: {  	s15 =	sshll.u32 s11, $0xE;
	_ =	swait.ge [sflag:s5], s13  }
0x54: {  	s15 =	sand.u32 $0x4000, s15;
	s17 =	ssub.s32 $0x0, s13;
	[sflag:s5] =	ssyncset.done $0x0  }
0x55: {  	s14 =	sor.u32 $0x8000, s15;
	[sflag:s5] =	ssyncadd.s32 s17  }
0x56: {  	p2 =	sne.s32 s16, $0x1  }
.Ltmp4:
0x57: {  	v1 =	vmov s15;
	v0 =	vmov s14;
	(pc) =	sbr.rel @!p2 .LBB2_4-.Ltmp4, $3  }
0x58: {  	_ =	sdelay $0x1  }
0x59: {  	s17 =	simm.s32 $0x0  }
0x5a: {  	s23 =	sadd.s32 $0xFFFFFFFF, s16;
	p1 =	por $0x0, $0x0;
	s15 =	sand.u32 $0x3F80, s17  }
0x5b: {  	_ =	sdelay $0x3  }
0x5c: {  	v6 =	vld.idx.msk [tilespmem:v1+s15+$0x0 ss:$0x1], $0xffff;
	s24 =	sor.u32 $0x70, s15  }
0x5d: {  	s16 =	sor.u32 $0x10, s15;
	v8 =	vld.idx.msk [tilespmem:v1+s24+$0x0 ss:$0x1], $0xffff  }
0x5e: {  	s17 =	sor.u32 $0x20, s15;
	p2 =	sne.s32 s23, $0x1;
	v2 =	vld.idx.msk [tilespmem:v1+s16+$0x0 ss:$0x1], $0xffff  }
.Ltmp5:
0x5f: {  	s18 =	sor.u32 $0x30, s15;
	v4 =	vld.idx.msk [tilespmem:v1+s17+$0x0 ss:$0x1], $0xffff;
	(pc) =	sbr.rel @!p2 .LBB2_7-.Ltmp5, $4  }
0x60: {  	s19 =	sor.u32 $0x40, s15;
	v3 =	vld.idx.msk [tilespmem:v1+s18+$0x0 ss:$0x1], $0xffff  }
0x61: {  	s21 =	sor.u32 $0x60, s15;
	v5 =	vld.idx.msk [tilespmem:v1+s19+$0x0 ss:$0x1], $0xffff  }
0x62: {  	s20 =	sor.u32 $0x50, s15;
	s22 =	simm.s32 $0x80;
	v7 =	vld.idx.msk [tilespmem:v1+s21+$0x0 ss:$0x1], $0xffff;
	[tilespmem:v0+s15+$0x0 ss:$0x1] =	vst.idx.msk $0xffff, v6  }
0x63: {  	s23 =	sadd.s32 $0xFFFFFFFF, s23;
	p1 =	por $0x1, $0x1;
	v6 =	vld.idx.msk [tilespmem:v1+s20+$0x0 ss:$0x1], $0xffff;
	s15 =	sand.u32 $0x3F80, s22;
	[tilespmem:v0+s24+$0x0 ss:$0x1] =	vst.idx.msk $0xffff, v8  }
.LBB2_6:
0x64: {  	p2 =	sne.s32 s23, $0x1;
	v8 =	vld.idx.msk [tilespmem:v1+s15+$0x0 ss:$0x1], $0xffff;
	s24 =	sor.u32 $0x70, s15;
	[tilespmem:v0+s16+$0x0 ss:$0x1] =	vst.idx.msk $0xffff, v2;
	s16 =	sor.u32 $0x10, s15  }
0x65: {  	s25 =	sor.u32 $0x30, s15;
	s26 =	sor.u32 $0x40, s15;
	v9 =	vld.idx.msk [tilespmem:v1+s24+$0x0 ss:$0x1], $0xffff;
	[tilespmem:v0+s17+$0x0 ss:$0x1] =	vst.idx.msk $0xffff, v4;
	s17 =	sor.u32 $0x20, s15  }
0x66: {  	s28 =	sor.u32 $0x50, s15;
	s29 =	sor.u32 $0x60, s15;
	v2 =	vld.idx.msk [tilespmem:v1+s16+$0x0 ss:$0x1], $0xffff;
	[tilespmem:v0+s18+$0x0 ss:$0x1] =	vst.idx.msk $0xffff, v3;
	s18 =	smov.u32 s25  }
.Ltmp6:
0x67: {  	v4 =	vld.idx.msk [tilespmem:v1+s17+$0x0 ss:$0x1], $0xffff;
	[tilespmem:v0+s19+$0x0 ss:$0x1] =	vst.idx.msk $0xffff, v5;
	s19 =	smov.u32 s26;
	(pc) =	sbr.rel @p2 .LBB2_6-.Ltmp6, $4  }
0x68: {  	v3 =	vld.idx.msk [tilespmem:v1+s18+$0x0 ss:$0x1], $0xffff;
	[tilespmem:v0+s20+$0x0 ss:$0x1] =	vst.idx.msk $0xffff, v6;
	s20 =	smov.u32 s28  }
0x69: {  	v5 =	vld.idx.msk [tilespmem:v1+s19+$0x0 ss:$0x1], $0xffff;
	[tilespmem:v0+s21+$0x0 ss:$0x1] =	vst.idx.msk $0xffff, v7;
	s21 =	smov.u32 s29  }
0x6a: {  	s22 =	sadd.s32 $0x80, s22;
	[tilespmem:v0+s15+$0x0 ss:$0x1] =	vst.idx.msk $0xffff, v8;
	v6 =	vld.idx.msk [tilespmem:v1+s20+$0x0 ss:$0x1], $0xffff  }
0x6b: {  	s23 =	sadd.s32 $0xFFFFFFFF, s23;
	s15 =	sand.u32 $0x3F80, s22;
	v7 =	vld.idx.msk [tilespmem:v1+s21+$0x0 ss:$0x1], $0xffff;
	[tilespmem:v0+s24+$0x0 ss:$0x1] =	vst.idx.msk $0xffff, v9  }
.Ltmp7:
0x6c: {  	_ = 	snop;
	(pc) =	sbr.rel .LBB2_7-.Ltmp7, $1  }
0x6d: {  	_ =	sdelay $0x3  }
.LBB2_10:
0x6e: {  	_ =	sfence.sel $0x180000  }
0x6f: {  	s2 =	simm.s32 $0x1;
	[bflag:$0x0] =	sbarrier.arrive $0xFFFF  }
0x70: {  	s31 =	simm.s32 $0x2;
	[sflag:s2] =	ssyncpa.u1 $0x1  }
0x71: {  	[sflag:s31] =	ssyncpa.u1 $0x1  }
0x72: {  	_ =	strace $0x9000004D  }
0x73: {  	s0 =	sadd.s32 @!p0 $0x100000, s0;
	[bflag:$0x2] =	sbarrier.arrive $0xFFFF  }
0x74: {  	[sflag:s0] =	ssyncadd.tile.s32 @!p0 $0x1;
	s0 =	simm.s32 @!p0 $0x3F  }
0x75: {  	_ =	swait.ge @!p0 [sflag:s0], s1  }
0x76: {  	s1 =	ssub.s32 @!p0 $0x0, s1;
	[sflag:s0] =	ssyncset.done @!p0 $0x0  }
0x77: {  	[sflag:s0] =	ssyncadd.s32 @!p0 s1  }
0x78: {  	[bflag:$0x3] =	sbarrier.arrive $0xFFFF  }
0x79: {  	_ =	shalt  }
.Lfunc_end2:
execute1_lowered:
.L_overlay_start_2:
0x7a: {  	(tag) =	ssettag $0x2  }
0x7b: {  	s0 =	rddreg [dreg:$0x0];
	_ =	strace $0x80000050;
	s1 =	simm.s32 $0x1  }
0x7c: {  	s8 =	simm.s32 $0x108;
	v0 =	vimm.s32 $0x0;
	[sflag:s1] =	ssyncpa.u1 $0x0  }
0x7d: {  	[tilespmem:s8+$0x70] =	vst v0  }
0x7e: {  	[tilespmem:s8+$0x60] =	vst v0  }
0x7f: {  	[tilespmem:s8+$0x50] =	vst v0  }
0x80: {  	[tilespmem:s8+$0x40] =	vst v0  }
0x81: {  	[tilespmem:s8+$0x30] =	vst v0  }
0x82: {  	s2 =	simm.s32 $0x40;
	s1 =	sadd.s32 $0x34E800, s0;
	[tilespmem:s8+$0x20] =	vst v0  }
0x83: {  	s3 =	sadd.s32 $0xD200, s0;
	s4 =	sadd.s32 $0x1A200, s0;
	s5 =	sadd.s32 $0x13A00, s0;
	[tilespmem:s8+$0x10] =	vst v0  }
.LBB3_1:
0x84: {  	s2 =	sadd.s32 $0x40, s2;
	[tilespmem:s8+$0x0] =	vst v0;
	s8 =	sadd.s32 $0x80, s8  }
0x85: {  	p0 =	slt.u32 s2, $0x3C40;
	[tilespmem:s8+$0x70] =	vst v0  }
0x86: {  	[tilespmem:s8+$0x60] =	vst v0  }
.Ltmp8:
0x87: {  	[tilespmem:s8+$0x50] =	vst v0;
	(pc) =	sbr.rel @p0 .LBB3_1-.Ltmp8, $4  }
0x88: {  	[tilespmem:s8+$0x40] =	vst v0  }
0x89: {  	[tilespmem:s8+$0x30] =	vst v0  }
0x8a: {  	[tilespmem:s8+$0x20] =	vst v0  }
0x8b: {  	[tilespmem:s8+$0x10] =	vst v0  }
0x8c: {  	s13 =	stileid.u32  }
0x8d: {  	s0 =	smul.u32 $0x36, s13  }
0x8e: {  	s2 =	smin.u32 s13, $0xB  }
0x8f: {  	s0 =	sadd.s32 s2, s0  }
0x90: {  	p0 =	slt.u32 s13, $0xB;
	s6 =	smul.u32 $0xF0, s0;
	s0 =	simm.s32 $0x3390  }
0x91: {  	s0 =	simm.s32 @!p0 $0x32A0  }
0x92: {  	s0 =	sadd.s32 s0, s6  }
0x93: {  	s7 =	smin.u32 s0, $0x33450  }
0x94: {  	s0 =	ssub.s32 s7, s6  }
0x95: {  	p0 =	sgt.s32 s0, $0x0  }
0x96: {  	s0 =	simm.s32 @!p0 $0x0  }
0x97: {  	s31 =	smulhi.u32 $0x88888889, s0  }
0x98: {  	s30 =	simm.s32 $0x2;
	s9 =	simm.s32 $0x7;
	s10 =	simm.s32 $0x8  }
0x99: {  	s19 =	simm.s32 $0x0;
	s15 =	simm.s32 $0xA;
	s2 =	sshrl.u32 s31, $0x7  }
0x9a: {  	s17 =	simm.s32 $0x0;
	s18 =	simm.s32 $0x0;
	s11 =	smul.u32 $0xF0, s2  }
.Ltmp9:
0x9b: {  	[tilespmem:s8+$0x0] =	vst v0;
	v0 =	vimm.s32 $0xFFFFFFFF;
	[sflag:s30] =	ssyncpa.u1 $0x0;
	s13 =	sshll.u32 s13, $0x8;
	(pc) =	sbr.rel .LBB3_3-.Ltmp9, $4  }
0x9c: {  	[tilespmem:$0xF208] =	vst v0;
	[sflag:s9] =	ssyncpa.u1 $0x0;
	p0 =	sne.s32 s0, s11;
	s0 =	simm.s32 $0x1  }
0x9d: {  	[sflag:s10] =	ssyncpa.u1 $0x0;
	s10 =	simm.s32 $0x9;
	s0 =	simm.s32 @!p0 $0x0  }
0x9e: {  	[sflag:s10] =	ssyncpa.u1 $0x0;
	s16 =	smov.u32 s6;
	s12 =	sadd.s32 s0, s2  }
0x9f: {  	v0 =	vlaneseq.u32;
	s11 =	simm.s32 $0x1;
	p0 =	por $0x0, $0x0;
	s14 =	sadd.s32 $0x1, s12  }
.LBB3_18:
0xa0: {  	s0 =	sshrl.u32 s28, $0x2  }
.LBB3_20:
0xa1: {  	_ =	swait.ge [sflag:s15], s0  }
0xa2: {  	s31 =	ssub.s32 $0x0, s0;
	v1 =	vmov s21;
	vm0 =	veq.s32 v0, $0x0;
	[sflag:s15] =	ssyncset.done $0x0  }
0xa3: {  	vm15 =	veq.s32 v0, $0x2;
	v1 =	vsel vm0, s26, v1;
	[sflag:s15] =	ssyncadd.s32 s31  }
0xa4: {  	v1 =	vsel vm15, s19, v1;
	[sflag:s15] =	ssyncpa.u1 $0x1  }
0xa5: {  	[tilespmem:$0xF208] =	vst v1  }
.LBB3_21:
0xa6: {  	s0 =	sadd.s32 $0xF0, s16  }
0xa7: {  	s2 =	smov.u32 s6;
	p1 =	slt.s32 s0, s7  }
0xa8: {  	s2 =	smov.u32 @p1 s0;
	p1 =	sne.s32 s18, s14  }
.Ltmp10:
0xa9: {  	_ = 	snop;
	(pc) =	sbr.rel @!p1 .LBB3_22-.Ltmp10, $3  }
0xaa: {  	_ =	sdelay $0x1  }
0xab: {  	s19 =	smov.u32 s17;
	s31 =	sadd.s32 $0x1, s18;
	s17 =	smov.u32 s16  }
0xac: {  	p0 =	por !p0, !p0;
	s18 =	smov.u32 s31;
	s16 =	smov.u32 s2  }
.LBB3_3:
0xad: {  	p1 =	sge.u32 s18, s12  }
0xae: {  	s0 =	smulhi.u32 @!p1 $0xAAAAAAAB, s18  }
0xaf: {  	s2 =	smov.u32 s16;
	p2 =	sgt.s32 @!p1 s16, $0x33360  }
0xb0: {  	s20 =	sshra.s32 @!p1 s16, $0x1F;
	p2 =	por !p2, p1;
	s0 =	sshrl.u32 @!p1 s0, $0x1  }
0xb1: {  	s20 =	sand.u32 @!p1 s20, s16;
	s2 =	simm.s32 @p2 $0x33360;
	s0 =	smul.u32 @!p1 $0x3, s0  }
0xb2: {  	s2 =	ssub.s32 @!p1 s2, s20  }
0xb3: {  	s2 =	sadd.s32 @!p1 $0xFFFCCCA0, s2;
	s0 =	ssub.s32 @!p1 s18, s0  }
0xb4: {  	s20 =	sshll.u32 @!p1 s2, $0x2;
	p2 =	sgt.s32 @!p1 s2, $0xEF;
	s0 =	smul.u32 @!p1 $0x3C0, s0  }
0xb5: {  	s21 =	sand.u32 @!p1 $0x7, s16;
	s2 =	ssub.s32 @!p1 $0x3C0, s20;
	p2 =	por !p2, p1  }
0xb6: {  	s20 =	sshrl.u32 @!p1 s16, $0x3;
	s2 =	sshrl.u32 @!p1 s2, $0x2;
	s0 =	sshrl.u32 @!p1 s0, $0x2  }
0xb7: {  	s20 =	sadd.s32 @!p1 s5, s20;
	s2 =	simm.s32 @!p2 $0x0;
	s0 =	sadd.s32 @!p1 $0x10238, s0  }
0xb8: {  	[tilespmem:s0], [sflag:$0x8] =	stream.linear.gather @!p1 [hbm4b:s20+s21], s2, $0x38;
	[tilespmem:$0x1F6E8] =	vst v63  }
0xb9: {  	s0 =	sadd.s32 $0xFFFFFFFF, s18  }
0xba: {  	p1 =	sge.u32 s0, s12  }
0xbb: {  	p2 =	sgt.s32 @!p1 s17, $0x33360  }
0xbc: {  	s2 =	smov.u32 s17;
	s20 =	sshra.s32 @!p1 s17, $0x1F;
	p2 =	por !p2, p1  }
0xbd: {  	s20 =	sand.u32 @!p1 s20, s17;
	s2 =	simm.s32 @p2 $0x33360  }
0xbe: {  	s2 =	ssub.s32 @!p1 s2, s20  }
0xbf: {  	s2 =	sadd.s32 @!p1 $0xFFFCCCA0, s2  }
0xc0: {  	s21 =	smulhi.u32 @!p1 $0xAAAAAAAB, s0;
	s22 =	sand.u32 @!p1 $0x1, s0;
	s20 =	sshll.u32 @!p1 s2, $0x2  }
0xc1: {  	s24 =	smul.u32 @!p1 $0x3C0, s22;
	p2 =	sgt.s32 @!p1 s2, $0xEF;
	s2 =	ssub.s32 @!p1 $0x3C0, s20  }
0xc2: {  	p2 =	por !p2, p1;
	s20 =	sshrl.u32 @!p1 s21, $0x1;
	s2 =	sshrl.u32 @!p1 s2, $0x2  }
0xc3: {  	s21 =	simm.s32 @!p1 $0x8;
	s20 =	smul.u32 @!p1 $0x3, s20;
	s2 =	simm.s32 @!p2 $0x0  }
0xc4: {  	s22 =	smul.u32 @!p1 $0x1E000, s22;
	_ =	swait.ge @!p1 [sflag:s21], s2;
	s23 =	ssub.s32 @!p1 $0x0, s2  }
0xc5: {  	s0 =	ssub.s32 @!p1 s0, s20;
	s20 =	sshrl.u32 @!p1 s17, $0x3;
	[sflag:s21] =	ssyncset.done @!p1 $0x0  }
0xc6: {  	s20 =	sadd.s32 @!p1 s3, s20;
	[sflag:s21] =	ssyncadd.s32 @!p1 s23;
	s21 =	sshrl.u32 @!p1 s24, $0x2  }
0xc7: {  	s0 =	smul.u32 @!p1 $0x3C0, s0;
	s23 =	sand.u32 @!p1 $0x7, s17;
	s21 =	sor.u32 @!p1 $0x10508, s21  }
0xc8: {  	[tilespmem:s21], [sflag:$0x9] =	stream.linear.gather @!p1 [hbm4b:s20+s23], s2, $0x38;
	[tilespmem:$0x1F6E8] =	vst v63  }
0xc9: {  	s0 =	sshrl.u32 @!p1 s0, $0x2;
	s2 =	sshrl.u32 @!p1 s22, $0x2  }
0xca: {  	s0 =	sadd.s32 @!p1 $0x10238, s0;
	s20 =	simm.s32 @!p1 $0xF0;
	s2 =	sor.u32 @!p1 $0x106E8, s2  }
0xcb: {  	[tilespmem:s2], [sflag:$0x7] =	stream.indirect.gather @!p1 [hbm4b:s4+s20], $0x80, s0, s20, $0xb8;
	[tilespmem:$0x1F6E8] =	vst v63  }
0xcc: {  	p1 =	slt.u32 s18, $0x2  }
.Ltmp11:
0xcd: {  	_ = 	snop;
	(pc) =	sbr.rel @p1 .LBB3_21-.Ltmp11, $1  }
0xce: {  	_ =	sdelay $0x3  }
0xcf: {  	p1 =	sgt.s32 s19, $0x33360;
	s0 =	smov.u32 s19;
	s2 =	sshra.s32 s19, $0x1F  }
0xd0: {  	s0 =	simm.s32 @!p1 $0x33360;
	s2 =	sand.u32 s2, s19  }
0xd1: {  	s0 =	ssub.s32 s0, s2  }
0xd2: {  	s0 =	sadd.s32 $0xFFFCCCA0, s0  }
0xd3: {  	s30 =	sshll.u32 s0, $0x2  }
0xd4: {  	_ =	swait.ge [sflag:s9], $0x7800;
	s2 =	ssub.s32 $0x3C0, s30  }
0xd5: {  	[sflag:s9] =	ssyncset.done $0x0;
	p1 =	sgt.s32 s0, $0xEF;
	s0 =	sshrl.u32 s2, $0x2  }
0xd6: {  	[sflag:s9] =	ssyncadd.s32 $0xFFFF8800;
	s0 =	simm.s32 @p1 $0x0  }
0xd7: {  	_ =	swait.ge [sflag:s10], s0  }
0xd8: {  	s0 =	ssub.s32 $0x0, s0;
	[sflag:s10] =	ssyncset.done $0x0  }
0xd9: {  	[sflag:s10] =	ssyncadd.s32 s0  }
0xda: {  	v1 =	vld [tilespmem:$0xF208];
	_ =	sdelay $0x4  }
0xdb: {  	(v2sf) =	vpush v1, $0x0  }
0xdc: {  	(v2sf) =	vpush v1, $0x1  }
0xdd: {  	(v2sf) =	vpush v1, $0x2;
	_ =	sdelay $0x3  }
0xde: {  	s0 =	sadd.s32 $0xF0, s19  }
0xdf: {  	s2 =	ssub.s32 $0x33450, s19;
	p1 =	slt.s32 s7, s0  }
0xe0: {  	s0 =	smov.u32 @p1 s7;
	p1 =	sgt.s32 s2, $0x0  }
0xe1: {  	s23 =	ssub.s32 s0, s19;
	s2 =	simm.s32 @!p1 $0x0  }
0xe2: {  	p1 =	slt.s32 s2, s23  }
0xe3: {  	s23 =	smov.u32 @p1 s2  }
0xe4: {  	s22 =	simm.s32 $0x1;
	p1 =	slt.s32 s23, $0x1  }
.Ltmp12:
0xe5: {  	s22 =	simm.s32 @!p0 $0x0;
	(pc) =	sbr.rel @p1 .LBB3_8-.Ltmp12, $4  }
0xe6: {  	s31 =	smul.u32 $0x3C0, s22  }
0xe7: {  	s24 =	spop (v2sf)  }
0xe8: {  	s0 =	sshrl.u32 s31, $0x2;
	s26 =	spop (v2sf)  }
0xe9: {  	s20 =	sor.u32 $0x10508, s0;
	s19 =	spop (v2sf)  }
0xea: {  	s0 =	smin.u32 s23, $0x10  }
0xeb: {  	v1 =	vmov s0  }
0xec: {  	p2 =	sgt.s32 s23, $0x10;
	vm1 =	vgt.u32 v1, v0  }
.Ltmp13:
0xed: {  	_ = 	snop;
	(pc) =	sbr.rel @!p2 .LBB3_7-.Ltmp13, $2  }
0xee: {  	_ =	sdelay $0x2  }
0xef: {  	s25 =	simm.s32 $0x10;
	s28 =	sadd.s32 $0xFFFFFFF0, s23;
	s21 =	smov.u32 s20;
	vm0 =	vmmov vm1  }
.LBB3_6:
0xf0: {  	s0 =	smin.u32 s28, $0x10;
	s25 =	sadd.s32 $0x10, s25;
	v1 =	vld.msk [tilespmem:s21+$0x0 ss:$0x1], vm1  }
0xf1: {  	v2 =	vmov s0;
	p2 =	slt.s32 s25, s23  }
0xf2: {  	vm1 =	vgt.u32 v2, v0  }
.Ltmp14:
0xf3: {  	(pc) =	sbr.rel @p2 .LBB3_6-.Ltmp14, $3  }
0xf4: {  	_ =	sdelay $0x1  }
0xf5: {  	v1 =	vshll.u32 v1, $0x4  }
0xf6: {  	s28 =	sadd.s32 $0xFFFFFFF0, s28;
	[tilespmem:s21+$0x0] =	vst.msk vm0, v1;
	s21 =	sadd.s32 $0x10, s21;
	vm0 =	vmmov vm1  }
.LBB3_7:
0xf7: {  	_ =	sdelay $0x4  }
0xf8: {  	v1 =	vld.msk [tilespmem:s21+$0x0 ss:$0x1], vm1;
	_ =	sdelay $0x4  }
0xf9: {  	v1 =	vshll.u32 v1, $0x4  }
0xfa: {  	[tilespmem:s21+$0x0] =	vst.msk vm0, v1  }
.LBB3_8:
0xfb: {  	s0 =	sand.u32 $0x1, s18  }
0xfc: {  	s0 =	smul.u32 $0xF0, s0  }
0xfd: {  	p2 =	sne.s32 s26, $0xFFFFFFFF  }
0xfe: {  	v1 =	vld.msk @!p2 [tilespmem:s0+$0x10508], $0x1;
	_ =	sdelay $0x4  }
0xff: {  	(v2sf) =	vpush @!p2 v1, $0x0;
	_ =	sdelay $0xc  }
.Ltmp15:
0x100: {  	_ = 	snop;
	(pc) =	sbr.rel @p1 .LBB3_19-.Ltmp15, $4  }
0x101: {  	_ = 	snop  }
0x102: {  	s25 =	spop @!p2 (v2sf)  }
0x103: {  	s19 =	simm.s32 @!p2 $0x0;
	s21 =	smov.u32 s25  }
0x104: {  	[sflag:s15] =	ssyncpa.u1 $0x0;
	s25 =	smov.u32 @p2 s24;
	s21 =	smov.u32 @p2 s26  }
0x105: {  	v1 =	vld.msk [tilespmem:s20+$0x0], $0x1;
	_ =	sdelay $0x4  }
0x106: {  	(v2sf) =	vpush v1, $0x0;
	_ =	sdelay $0xe  }
0x107: {  	s0 =	smul.u32 $0x1E000, s22;
	s29 =	spop (v2sf)  }
0x108: {  	s23 =	ssub.s32 $0x0, s23;
	p1 =	seq.s32 s25, s29  }
0x109: {  	s26 =	sadd.s32 $0x1, s23;
	s0 =	sshrl.u32 s0, $0x2;
	p2 =	sgt.s32 @!p1 s25, $0x0  }
0x10a: {  	s22 =	sor.u32 $0x10728, s0;
	s0 =	smov.u32 s25;
	p2 =	por !p2, p1  }
0x10b: {  	s0 =	simm.s32 @p2 $0x0;
	p2 =	seq.s32 s26, $0x0  }
.Ltmp16:
0x10c: {  	_ = 	snop;
	(pc) =	sbr.rel @p2 .LBB3_11-.Ltmp16, $4  }
0x10d: {  	_ = 	snop  }
0x10e: {  	s24 =	simm.s32 $0x0;
	s28 =	sadd.s32 $0x1, s20;
	s0 =	smin.u32 @!p1 s0, $0x270F0  }
0x10f: {  	s30 =	simm.s32 @!p1 $0x1;
	s31 =	simm.s32 @!p1 $0x7988;
	s2 =	sand.u32 @!p1 $0x3FFF8, s0  }
0x110: {  	s30 =	smov.u32 @p1 s24;
	s0 =	sand.u32 @!p1 $0x7, s0;
	s2 =	sadd.s32 @!p1 s1, s2  }
.LBB3_10:
0x111: {  	s8 =	smov.u32 s30  }
0x112: {  	[tilespmem:s31], [sflag:$0x2] =	stream.linear.gather @!p1 [hbm4b:s2+s0], $0x80, $0x38;
	[tilespmem:$0x1F6E8] =	vst v63  }
0x113: {  	s26 =	sadd.s32 $0x1, s26;
	s0 =	smov.u32 s29;
	v1 =	vld.msk [tilespmem:s28+$0x0], $0x1  }
0x114: {  	p2 =	seq.s32 s26, $0x0;
	_ =	sdelay $0x3  }
0x115: {  	(v2sf) =	vpush v1, $0x0;
	_ =	sdelay $0xe  }
0x116: {  	s29 =	spop (v2sf)  }
0x117: {  	p1 =	seq.s32 s0, s29  }
0x118: {  	p3 =	sgt.s32 @!p1 s0, $0x0;
	s2 =	sshll.u32 @!p1 s30, $0x9;
	s30 =	sadd.s32 @!p1 $0x1, s30  }
.Ltmp17:
0x119: {  	p3 =	por !p3, p1;
	s2 =	sshra.s32 @!p1 s2, $0x2;
	(pc) =	sbr.rel @!p2 .LBB3_10-.Ltmp17, $4  }
0x11a: {  	s30 =	smov.u32 @p1 s8;
	s0 =	simm.s32 @p3 $0x0;
	s31 =	sadd.s32 @!p1 $0x7988, s2  }
0x11b: {  	s0 =	smin.u32 @!p1 s0, $0x270F0  }
0x11c: {  	s2 =	sand.u32 @!p1 $0x3FFF8, s0;
	s0 =	sand.u32 @!p1 $0x7, s0  }
0x11d: {  	s28 =	sadd.s32 $0x1, s28;
	s2 =	sadd.s32 @!p1 s1, s2  }
.LBB3_11:
0x11e: {  	[tilespmem:s31], [sflag:$0x2] =	stream.linear.gather @!p1 [hbm4b:s2+s0], $0x80, $0x38;
	[tilespmem:$0x1F6E8] =	vst v63  }
.Ltmp18:
0x11f: {  	s30 =	sshll.u32 s30, $0x7;
	(pc) =	sbr.rel .LBB3_12-.Ltmp18, $4  }
0x120: {  	s31 =	simm.s32 $0x2;
	s0 =	sand.u32 $0x3FFFFF80, s30  }
0x121: {  	_ =	swait.ge [sflag:s31], s0  }
0x122: {  	s0 =	ssub.s32 $0x0, s0;
	[sflag:s31] =	ssyncset.done $0x0  }
0x123: {  	s28 =	simm.s32 $0x0;
	[sflag:s31] =	ssyncadd.s32 s0  }
.LBB3_13:
0x124: {  	v1 =	vld [tilespmem:s22+$0xFFFFFFC0];
	_ =	sdelay $0x3  }
0x125: {  	s0 =	sshra.s32 s0, $0x2  }
0x126: {  	[tilespmem:s0+$0x108] =	vst.add.f32.msk $0xffff, v1  }
0x127: {  	v1 =	vld [tilespmem:s22+$0xFFFFFFD0];
	_ =	sdelay $0x4  }
0x128: {  	[tilespmem:s0+$0x118] =	vst.add.f32.msk $0xffff, v1  }
0x129: {  	v1 =	vld [tilespmem:s22+$0xFFFFFFE0];
	_ =	sdelay $0x4  }
0x12a: {  	[tilespmem:s0+$0x128] =	vst.add.f32.msk $0xffff, v1  }
0x12b: {  	v1 =	vld [tilespmem:s22+$0xFFFFFFF0];
	_ =	sdelay $0x4  }
0x12c: {  	[tilespmem:s0+$0x138] =	vst.add.f32.msk $0xffff, v1  }
0x12d: {  	v1 =	vld [tilespmem:s22+$0x0];
	_ =	sdelay $0x4  }
0x12e: {  	[tilespmem:s0+$0x148] =	vst.add.f32.msk $0xffff, v1  }
0x12f: {  	v1 =	vld [tilespmem:s22+$0x10];
	_ =	sdelay $0x4  }
0x130: {  	[tilespmem:s0+$0x158] =	vst.add.f32.msk $0xffff, v1  }
0x131: {  	v1 =	vld [tilespmem:s22+$0x20];
	_ =	sdelay $0x4  }
0x132: {  	[tilespmem:s0+$0x168] =	vst.add.f32.msk $0xffff, v1  }
0x133: {  	v1 =	vld [tilespmem:s22+$0x30];
	_ =	sdelay $0x4  }
0x134: {  	[tilespmem:s0+$0x178] =	vst.add.f32.msk $0xffff, v1  }
.LBB3_17:
0x135: {  	s23 =	sadd.s32 $0x1, s23  }
0x136: {  	p1 =	seq.s32 s23, $0x0  }
.Ltmp19:
0x137: {  	_ = 	snop;
	(pc) =	sbr.rel @p1 .LBB3_18-.Ltmp19, $2  }
0x138: {  	_ =	sdelay $0x2  }
0x139: {  	s20 =	sadd.s32 $0x1, s20;
	s22 =	sadd.s32 $0x80, s22;
	s25 =	smov.u32 s26  }
.LBB3_12:
0x13a: {  	v1 =	vld.msk [tilespmem:s20+$0x0], $0x1;
	_ =	sdelay $0x4  }
0x13b: {  	(v2sf) =	vpush v1, $0x0;
	_ =	sdelay $0xe  }
0x13c: {  	s26 =	spop (v2sf)  }
0x13d: {  	p1 =	sne.s32 s25, s26  }
.Ltmp20:
0x13e: {  	_ = 	snop;
	(pc) =	sbr.rel @!p1 .LBB3_13-.Ltmp20, $2  }
0x13f: {  	_ =	sdelay $0x2  }
0x140: {  	s0 =	sshll.u32 s19, $0x9  }
0x141: {  	p1 =	seq.s32 s25, s21  }
.Ltmp21:
0x142: {  	_ = 	snop;
	(pc) =	sbr.rel @!p1 .LBB3_15-.Ltmp21, $1  }
0x143: {  	_ =	sdelay $0x3  }
0x144: {  	s0 =	sshra.s32 s0, $0x2  }
.Ltmp22:
0x145: {  	s0 =	sadd.s32 $0x108, s0;
	(pc) =	sbr.rel .LBB3_16-.Ltmp22, $4  }
0x146: {  	[spmem:s13] =	stream.linear.scatter [tilespmem:s0], [sflag:$0x1], $0x80, $0x38;
	[tilespmem:$0x1F6E8] =	vst v63  }
0x147: {  	_ =	swait.ge [sflag:s11], $0x80  }
0x148: {  	[sflag:s11] =	ssyncset.done $0x0  }
0x149: {  	[sflag:s11] =	ssyncadd.s32 $0xFFFFFF80  }
.LBB3_15:
0x14a: {  	s2 =	sshll.u32 s24, $0x9  }
0x14b: {  	s2 =	sshra.s32 s2, $0x2  }
0x14c: {  	v1 =	vld [tilespmem:s2+$0x7988];
	_ =	sdelay $0x3  }
0x14d: {  	s0 =	sshra.s32 s0, $0x2  }
0x14e: {  	[tilespmem:s0+$0x108] =	vst.add.f32.msk $0xffff, v1  }
0x14f: {  	v1 =	vld [tilespmem:s2+$0x7998];
	_ =	sdelay $0x4  }
0x150: {  	[tilespmem:s0+$0x118] =	vst.add.f32.msk $0xffff, v1  }
0x151: {  	v1 =	vld [tilespmem:s2+$0x79A8];
	_ =	sdelay $0x4  }
0x152: {  	[tilespmem:s0+$0x128] =	vst.add.f32.msk $0xffff, v1  }
0x153: {  	v1 =	vld [tilespmem:s2+$0x79B8];
	_ =	sdelay $0x4  }
0x154: {  	[tilespmem:s0+$0x138] =	vst.add.f32.msk $0xffff, v1  }
0x155: {  	v1 =	vld [tilespmem:s2+$0x79C8];
	_ =	sdelay $0x4  }
0x156: {  	[tilespmem:s0+$0x148] =	vst.add.f32.msk $0xffff, v1  }
0x157: {  	v1 =	vld [tilespmem:s2+$0x79D8];
	_ =	sdelay $0x4  }
0x158: {  	[tilespmem:s0+$0x158] =	vst.add.f32.msk $0xffff, v1  }
0x159: {  	v1 =	vld [tilespmem:s2+$0x79E8];
	_ =	sdelay $0x4  }
0x15a: {  	[tilespmem:s0+$0x168] =	vst.add.f32.msk $0xffff, v1  }
0x15b: {  	v1 =	vld [tilespmem:s2+$0x79F8];
	_ =	sdelay $0x2  }
0x15c: {  	p1 =	sgt.u32 s25, $0x270F0  }
0x15d: {  	s2 =	sand.u32 @!p1 $0x3FFF8, s25  }
0x15e: {  	s8 =	sadd.s32 $0x108, s0;
	[tilespmem:s0+$0x178] =	vst.add.f32.msk $0xffff, v1;
	s0 =	sadd.s32 @!p1 s1, s2;
	s2 =	sand.u32 @!p1 $0x7, s25  }
0x15f: {  	[hbm4b:s0+s2] =	stream.linear.scatter @!p1 [tilespmem:s8], [sflag:$0xA], $0x80, $0x38;
	[tilespmem:$0x1F6E8] =	vst v63  }
0x160: {  	s0 =	simm.s32 $0x0  }
0x161: {  	s0 =	simm.s32 @!p1 $0x200  }
0x162: {  	s28 =	sadd.s32 s0, s28  }
.LBB3_16:
0x163: {  	s0 =	sadd.s32 $0x1, s19  }
0x164: {  	s2 =	smulhi.u32 $0x88888889, s0;
	_ =	sdelay $0x1  }
0x165: {  	v1 =	vld [tilespmem:s22+$0xFFFFFFC0];
	s2 =	sshrl.u32 s2, $0x7  }
0x166: {  	s2 =	smul.u32 $0xF0, s2;
	_ =	sdelay $0x1  }
0x167: {  	s19 =	ssub.s32 s0, s2  }
0x168: {  	s0 =	sshll.u32 s19, $0x7  }
0x169: {  	[tilespmem:s0+$0x108] =	vst v1  }
0x16a: {  	v1 =	vld [tilespmem:s22+$0xFFFFFFD0];
	_ =	sdelay $0x4  }
0x16b: {  	[tilespmem:s0+$0x118] =	vst v1  }
0x16c: {  	v1 =	vld [tilespmem:s22+$0xFFFFFFE0];
	_ =	sdelay $0x4  }
0x16d: {  	[tilespmem:s0+$0x128] =	vst v1  }
0x16e: {  	v1 =	vld [tilespmem:s22+$0xFFFFFFF0];
	_ =	sdelay $0x4  }
0x16f: {  	[tilespmem:s0+$0x138] =	vst v1  }
0x170: {  	v1 =	vld [tilespmem:s22+$0x0];
	_ =	sdelay $0x4  }
0x171: {  	[tilespmem:s0+$0x148] =	vst v1  }
0x172: {  	v1 =	vld [tilespmem:s22+$0x10];
	_ =	sdelay $0x4  }
0x173: {  	[tilespmem:s0+$0x158] =	vst v1  }
0x174: {  	v1 =	vld [tilespmem:s22+$0x20];
	_ =	sdelay $0x4  }
0x175: {  	[tilespmem:s0+$0x168] =	vst v1  }
0x176: {  	v1 =	vld [tilespmem:s22+$0x30]  }
.Ltmp23:
0x177: {  	_ = 	snop;
	(pc) =	sbr.rel .LBB3_17-.Ltmp23, $2  }
0x178: {  	_ =	sdelay $0x2  }
0x179: {  	s24 =	sadd.s32 $0x1, s24;
	[tilespmem:s0+$0x178] =	vst v1  }
.LBB3_19:
.Ltmp24:
0x17a: {  	(pc) =	sbr.rel .LBB3_20-.Ltmp24, $4  }
0x17b: {  	_ = 	snop  }
0x17c: {  	s0 =	simm.s32 $0x2  }
0x17d: {  	_ =	swait.ge [sflag:s0], $0x0  }
0x17e: {  	s26 =	smov.u32 s25;
	[sflag:s0] =	ssyncset.done $0x0;
	s0 =	simm.s32 $0x0  }
.LBB3_22:
0x17f: {  	_ =	sfence.sel $0x180000  }
0x180: {  	s0 =	simm.s32 $0x7;
	[bflag:$0x0] =	sbarrier.arrive $0xFFFF  }
0x181: {  	s25 =	simm.s32 $0x8;
	[sflag:s0] =	ssyncpa.u1 $0x1  }
0x182: {  	s26 =	simm.s32 $0x9;
	[sflag:s25] =	ssyncpa.u1 $0x1  }
0x183: {  	s28 =	simm.s32 $0x2;
	[sflag:s26] =	ssyncpa.u1 $0x1  }
0x184: {  	[sflag:s28] =	ssyncpa.u1 $0x1  }
0x185: {  	v0 =	vld [tilespmem:$0xF208];
	_ =	sdelay $0x4  }
0x186: {  	(v2sf) =	vpush v0, $0x0  }
0x187: {  	(v2sf) =	vpush v0, $0x1;
	_ =	sdelay $0x1  }
0x188: {  	(v2sf) =	vpush v0, $0x2;
	_ =	sdelay $0xb  }
0x189: {  	s0 =	spop (v2sf)  }
0x18a: {  	s2 =	spop (v2sf)  }
0x18b: {  	s3 =	smov.u32 s0;
	p0 =	sne.s32 s0, s2  }
0x18c: {  	s4 =	spop (v2sf);
	s3 =	simm.s32 @!p0 $0xFFFFFFFF  }
0x18d: {  	v2 =	vimm.s32 $0x1;
	v3 =	vlaneseq.u32;
	p0 =	seq.s32 s4, $0xFFFFFFFF;
	v1 =	vmov s3  }
0x18e: {  	s7 =	stileid.u32;
	v0 =	vperm.xlane v0, v2;
	p1 =	sne.s32 @!p0 s0, s2;
	v1 =	vperm.xlane v1, v3  }
0x18f: {  	vm0 =	vcmask $0x3F04;
	s6 =	simm.s32 $0xF208;
	s0 =	simm.s32 @!p0 $0x1;
	p1 =	por !p1, p0  }
0x190: {  	s3 =	sshll.u32 s7, $0x1;
	s2 =	sshll.u32 @!p0 s4, $0x9;
	s0 =	simm.s32 @p1 $0x0;
	v0 =	vsel vm0, v1, v0  }
0x191: {  	s5 =	sor.u32 $0x1000, s3;
	s2 =	sshra.s32 @!p0 s2, $0x2;
	s0 =	sor.u32 @!p0 s0, s3;
	[tilespmem:$0xF208] =	vst v0  }
0x192: {  	[spmem:s5] =	stream.linear.scatter [tilespmem:s6], [sflag:$0x1], $0x2, $0x38;
	[tilespmem:$0x1F6E8] =	vst v63  }
0x193: {  	s2 =	sadd.s32 @!p0 $0x108, s2;
	s0 =	sshll.u32 @!p0 s0, $0x7  }
0x194: {  	[spmem:s0] =	stream.linear.scatter @!p0 [tilespmem:s2], [sflag:$0x1], $0x80, $0x38;
	[tilespmem:$0x1F6E8] =	vst v63  }
0x195: {  	s0 =	simm.s32 @!p0 $0x82  }
0x196: {  	s3 =	simm.s32 $0x1;
	s0 =	simm.s32 @p0 $0x2  }
0x197: {  	_ =	swait.ge [sflag:s3], s0  }
0x198: {  	s0 =	ssub.s32 $0x0, s0;
	[sflag:s3] =	ssyncset.done $0x0  }
0x199: {  	[sflag:s3] =	ssyncadd.s32 s0  }
0x19a: {  	_ =	sfence.stream.spmem  }
0x19b: {  	s29 =	simm.s32 $0x3;
	[bflag:$0x0] =	sbarrier.arrive $0xFFFF  }
0x19c: {  	s30 =	simm.s32 $0x4;
	[sflag:s29] =	ssyncpa.u1 $0x1  }
0x19d: {  	s31 =	simm.s32 $0x3C;
	[sflag:s30] =	ssyncpa.u1 $0x1  }
0x19e: {  	p0 =	sne.s32 s7, $0x0;
	[sflag:s31] =	ssyncpa.u1 $0x1  }
0x19f: {  	_ =	sfence @p0  }
0x1a0: {  	[sflag:s3] =	ssyncpa.u1 @p0 $0x1  }
0x1a1: {  	_ =	strace @p0 $0x90000050  }
0x1a2: {  	[bflag:$0x2] =	sbarrier.arrive @p0 $0xFFFF  }
0x1a3: {  	_ =	shalt @p0  }
.LBB3_23:
0x1a4: {  	_ =	sfence.stream.spmem;
	s0 =	simm.s32 $0x5  }
0x1a5: {  	s2 =	simm.s32 $0x1000;
	s3 =	simm.s32 $0xF218;
	[sflag:s0] =	ssyncpa.u1 $0x0  }
0x1a6: {  	[tilespmem:s3], [sflag:$0x5] =	stream.linear.gather [spmem:s2], $0x20, $0x38;
	[tilespmem:$0x1F6E8] =	vst v63  }
0x1a7: {  	s30 =	simm.s32 $0xF238;
	s2 =	simm.s32 $0x0  }
0x1a8: {  	[tilespmem:s30], [sflag:$0x5] =	stream.linear.gather [spmem:s2], $0x1000, $0x38;
	[tilespmem:$0x1F6E8] =	vst v63  }
.Ltmp25:
0x1a9: {  	_ = 	snop;
	(pc) =	sbr.rel .LBB3_24-.Ltmp25, $4  }
0x1aa: {  	_ =	swait.ge [sflag:s0], $0x1020  }
0x1ab: {  	[sflag:s0] =	ssyncset.done $0x0  }
0x1ac: {  	s31 =	simm.s32 $0x6;
	[sflag:s0] =	ssyncadd.s32 $0xFFFFEFE0  }
0x1ad: {  	s3 =	simm.s32 $0x0;
	[sflag:s31] =	ssyncpa.u1 $0x0  }
.LBB3_30:
0x1ae: {  	p0 =	slt.u32 s4, $0x270F1  }
0x1af: {  	s0 =	sand.u32 @p0 $0x3FFF8, s4  }
0x1b0: {  	s4 =	sand.u32 @p0 $0x7, s4;
	s5 =	simm.s32 @p0 $0xF188;
	s0 =	sadd.s32 @p0 s1, s0  }
0x1b1: {  	[tilespmem:s5], [sflag:$0x6] =	stream.linear.gather @p0 [hbm4b:s0+s4], $0x80, $0x38;
	[tilespmem:$0x1F6E8] =	vst v63  }
0x1b2: {  	s0 =	simm.s32 @p0 $0x6  }
0x1b3: {  	_ =	swait.ge @p0 [sflag:s0], $0x80  }
0x1b4: {  	[sflag:s0] =	ssyncset.done @p0 $0x0  }
0x1b5: {  	[sflag:s0] =	ssyncadd.s32 @p0 $0xFFFFFF80  }
0x1b6: {  	v1 =	vld @p0 [tilespmem:$0xF188];
	_ =	sdelay $0x2  }
0x1b7: {  	s0 =	sshll.u32 @p0 s3, $0x9  }
0x1b8: {  	s4 =	sshrl.u32 @p0 s0, $0x2  }
0x1b9: {  	[tilespmem:s4+$0xF238] =	vst.add.f32.msk @p0 $0xffff, v1  }
0x1ba: {  	v1 =	vld @p0 [tilespmem:$0xF198];
	_ =	sdelay $0x4  }
0x1bb: {  	[tilespmem:s4+$0xF248] =	vst.add.f32.msk @p0 $0xffff, v1  }
0x1bc: {  	v1 =	vld @p0 [tilespmem:$0xF1A8];
	_ =	sdelay $0x4  }
0x1bd: {  	[tilespmem:s4+$0xF258] =	vst.add.f32.msk @p0 $0xffff, v1  }
0x1be: {  	v1 =	vld @p0 [tilespmem:$0xF1B8];
	_ =	sdelay $0x4  }
0x1bf: {  	[tilespmem:s4+$0xF268] =	vst.add.f32.msk @p0 $0xffff, v1  }
0x1c0: {  	v1 =	vld @p0 [tilespmem:$0xF1C8];
	_ =	sdelay $0x4  }
0x1c1: {  	[tilespmem:s4+$0xF278] =	vst.add.f32.msk @p0 $0xffff, v1  }
0x1c2: {  	v1 =	vld @p0 [tilespmem:$0xF1D8];
	_ =	sdelay $0x4  }
0x1c3: {  	[tilespmem:s4+$0xF288] =	vst.add.f32.msk @p0 $0xffff, v1  }
0x1c4: {  	v1 =	vld @p0 [tilespmem:$0xF1E8];
	_ =	sdelay $0x4  }
0x1c5: {  	[tilespmem:s4+$0xF298] =	vst.add.f32.msk @p0 $0xffff, v1  }
0x1c6: {  	v1 =	vld @p0 [tilespmem:$0xF1F8];
	_ =	sdelay $0x3  }
0x1c7: {  	s5 =	sshll.u32 @!p0 s3, $0x9  }
0x1c8: {  	s5 =	smov.u32 @p0 s0;
	[tilespmem:s4+$0xF2A8] =	vst.add.f32.msk @p0 $0xffff, v1  }
0x1c9: {  	s0 =	sshrl.u32 s5, $0x2;
	[tilespmem:s2+$0xF218] =	vst.msk $0x1, v0  }
0x1ca: {  	v0 =	vld [tilespmem:s0+$0xF238];
	_ =	sdelay $0x2  }
0x1cb: {  	s31 =	sshll.u32 s2, $0x9  }
0x1cc: {  	s4 =	sshra.s32 s31, $0x2  }
0x1cd: {  	[tilespmem:s4+$0xF238] =	vst v0  }
0x1ce: {  	v0 =	vld [tilespmem:s0+$0xF248];
	_ =	sdelay $0x4  }
0x1cf: {  	[tilespmem:s4+$0xF248] =	vst v0  }
0x1d0: {  	v0 =	vld [tilespmem:s0+$0xF258];
	_ =	sdelay $0x4  }
0x1d1: {  	[tilespmem:s4+$0xF258] =	vst v0  }
0x1d2: {  	v0 =	vld [tilespmem:s0+$0xF268];
	_ =	sdelay $0x4  }
0x1d3: {  	[tilespmem:s4+$0xF268] =	vst v0  }
0x1d4: {  	v0 =	vld [tilespmem:s0+$0xF278];
	_ =	sdelay $0x4  }
0x1d5: {  	[tilespmem:s4+$0xF278] =	vst v0  }
0x1d6: {  	v0 =	vld [tilespmem:s0+$0xF288];
	_ =	sdelay $0x4  }
0x1d7: {  	[tilespmem:s4+$0xF288] =	vst v0  }
0x1d8: {  	v0 =	vld [tilespmem:s0+$0xF298];
	_ =	sdelay $0x4  }
0x1d9: {  	[tilespmem:s4+$0xF298] =	vst v0  }
0x1da: {  	v0 =	vld [tilespmem:s0+$0xF2A8];
	_ =	sdelay $0x4  }
0x1db: {  	s2 =	sadd.s32 $0x1, s2;
	[tilespmem:s4+$0xF2A8] =	vst v0  }
.LBB3_31:
0x1dc: {  	s3 =	sadd.s32 $0x1, s3  }
0x1dd: {  	p0 =	sne.s32 s3, $0x20  }
.Ltmp26:
0x1de: {  	_ = 	snop;
	(pc) =	sbr.rel @!p0 .LBB3_32-.Ltmp26, $1  }
0x1df: {  	_ =	sdelay $0x3  }
.LBB3_24:
0x1e0: {  	v0 =	vld.msk [tilespmem:s3+$0xF218], $0x1;
	_ =	sdelay $0x4  }
0x1e1: {  	(v2sf) =	vpush v0, $0x0;
	_ =	sdelay $0xe  }
0x1e2: {  	s4 =	spop (v2sf)  }
0x1e3: {  	p0 =	seq.s32 s4, $0xFFFFFFFF  }
.Ltmp27:
0x1e4: {  	_ = 	snop;
	(pc) =	sbr.rel @p0 .LBB3_31-.Ltmp27, $1  }
0x1e5: {  	_ =	sdelay $0x3  }
0x1e6: {  	p0 =	slt.s32 s2, $0x1  }
.Ltmp28:
0x1e7: {  	_ = 	snop;
	(pc) =	sbr.rel @p0 .LBB3_30-.Ltmp28, $1  }
0x1e8: {  	_ =	sdelay $0x3  }
0x1e9: {  	s5 =	simm.s32 $0xF218;
	p0 =	por $0x0, $0x0  }
0x1ea: {  	v1 =	vld.msk @!p0 [tilespmem:s5+$0x0], $0x1;
	_ =	sdelay $0x4  }
0x1eb: {  	(v2sf) =	vpush @!p0 v1, $0x0;
	_ =	sdelay $0xd  }
0x1ec: {  	p2 =	sne.s32 s2, $0x1  }
.Ltmp29:
0x1ed: {  	s0 =	spop @!p0 (v2sf);
	(pc) =	sbr.rel @!p2 .LBB3_28-.Ltmp29, $4  }
0x1ee: {  	p1 =	seq.s32 @!p0 s4, s0  }
0x1ef: {  	s6 =	simm.s32 $0x0;
	p1 =	por !p1, p0  }
0x1f0: {  	s0 =	simm.s32 $0xFFFFFFFF;
	s6 =	simm.s32 @p1 $0xFFFFFFFF  }
0x1f1: {  	s7 =	simm.s32 $0x1;
	s6 =	smov.u32 @p0 s0  }
.LBB3_27:
0x1f2: {  	s0 =	smov.u32 s6;
	p0 =	sne.s32 s6, $0xFFFFFFFF  }
0x1f3: {  	s5 =	sadd.s32 $0x1, s5;
	s6 =	smov.u32 s7;
	s7 =	sadd.s32 $0x1, s7  }
0x1f4: {  	p1 =	sne.s32 s2, s7;
	v1 =	vld.msk @!p0 [tilespmem:s5+$0x0], $0x1;
	_ =	sdelay $0x4  }
0x1f5: {  	(v2sf) =	vpush @!p0 v1, $0x0;
	_ =	sdelay $0xe  }
.Ltmp30:
0x1f6: {  	s8 =	spop @!p0 (v2sf);
	(pc) =	sbr.rel @p1 .LBB3_27-.Ltmp30, $4  }
0x1f7: {  	p2 =	seq.s32 @!p0 s4, s8  }
0x1f8: {  	p2 =	por !p2, p0  }
0x1f9: {  	s6 =	simm.s32 @p2 $0xFFFFFFFF  }
0x1fa: {  	s6 =	smov.u32 @p0 s0  }
.LBB3_28:
0x1fb: {  	p0 =	seq.s32 s6, $0xFFFFFFFF  }
.Ltmp31:
0x1fc: {  	_ = 	snop;
	(pc) =	sbr.rel @p0 .LBB3_30-.Ltmp31, $1  }
0x1fd: {  	_ =	sdelay $0x3  }
0x1fe: {  	s0 =	sshll.u32 s3, $0x7  }
0x1ff: {  	s0 =	sand.u32 $0x3FFFFF80, s0  }
0x200: {  	v0 =	vld [tilespmem:s0+$0xF238];
	_ =	sdelay $0x2  }
0x201: {  	s4 =	sshll.u32 s6, $0x9  }
0x202: {  	s4 =	sshra.s32 s4, $0x2  }
0x203: {  	[tilespmem:s4+$0xF238] =	vst.add.f32.msk $0xffff, v0  }
0x204: {  	v0 =	vld [tilespmem:s0+$0xF248];
	_ =	sdelay $0x4  }
0x205: {  	[tilespmem:s4+$0xF248] =	vst.add.f32.msk $0xffff, v0  }
0x206: {  	v0 =	vld [tilespmem:s0+$0xF258];
	_ =	sdelay $0x4  }
0x207: {  	[tilespmem:s4+$0xF258] =	vst.add.f32.msk $0xffff, v0  }
0x208: {  	v0 =	vld [tilespmem:s0+$0xF268];
	_ =	sdelay $0x4  }
0x209: {  	[tilespmem:s4+$0xF268] =	vst.add.f32.msk $0xffff, v0  }
0x20a: {  	v0 =	vld [tilespmem:s0+$0xF278];
	_ =	sdelay $0x4  }
0x20b: {  	[tilespmem:s4+$0xF278] =	vst.add.f32.msk $0xffff, v0  }
0x20c: {  	v0 =	vld [tilespmem:s0+$0xF288];
	_ =	sdelay $0x4  }
0x20d: {  	[tilespmem:s4+$0xF288] =	vst.add.f32.msk $0xffff, v0  }
0x20e: {  	v0 =	vld [tilespmem:s0+$0xF298];
	_ =	sdelay $0x4  }
0x20f: {  	[tilespmem:s4+$0xF298] =	vst.add.f32.msk $0xffff, v0  }
0x210: {  	v0 =	vld [tilespmem:s0+$0xF2A8]  }
.Ltmp32:
0x211: {  	_ = 	snop;
	(pc) =	sbr.rel .LBB3_31-.Ltmp32, $2  }
0x212: {  	_ =	sdelay $0x2  }
0x213: {  	[tilespmem:s4+$0xF2A8] =	vst.add.f32.msk $0xffff, v0  }
.LBB3_32:
0x214: {  	p0 =	slt.s32 s2, $0x1  }
.Ltmp33:
0x215: {  	_ = 	snop;
	(pc) =	sbr.rel @p0 .LBB3_36-.Ltmp33, $3  }
0x216: {  	_ =	sdelay $0x1  }
0x217: {  	s0 =	simm.s32 $0x6  }
0x218: {  	s3 =	simm.s32 $0x0;
	[sflag:s0] =	ssyncpa.u1 $0x1  }
0x219: {  	s0 =	simm.s32 $0xF218  }
0x21a: {  	v0 =	vld.msk [tilespmem:s0+$0x0], $0x1;
	_ =	sdelay $0x4  }
0x21b: {  	(v2sf) =	vpush v0, $0x0;
	_ =	sdelay $0xd  }
0x21c: {  	s2 =	sadd.s32 $0xFFFFFFFF, s2  }
0x21d: {  	p1 =	sne.s32 s2, $0x0;
	s0 =	spop (v2sf)  }
.Ltmp34:
0x21e: {  	p0 =	sgt.u32 s0, $0x270F0;
	(pc) =	sbr.rel @!p1 .LBB3_35-.Ltmp34, $4  }
0x21f: {  	s4 =	simm.s32 $0xF238;
	s5 =	sand.u32 @!p0 $0x3FFF8, s0  }
0x220: {  	s6 =	simm.s32 $0x0;
	s0 =	sand.u32 @!p0 $0x7, s0;
	s5 =	sadd.s32 @!p0 s1, s5  }
0x221: {  	[hbm4b:s5+s0] =	stream.linear.scatter @!p0 [tilespmem:s4], [sflag:$0x5], $0x80, $0x38;
	[tilespmem:$0x1F6E8] =	vst v63  }
0x222: {  	s6 =	simm.s32 @!p0 $0x200;
	s5 =	simm.s32 $0xF219  }
.LBB3_34:
0x223: {  	v0 =	vld.msk [tilespmem:s5+$0x0], $0x1;
	s2 =	sadd.s32 $0xFFFFFFFF, s2;
	s3 =	sadd.s32 s3, s6  }
0x224: {  	p0 =	sne.s32 s2, $0x0;
	_ =	sdelay $0x3  }
0x225: {  	(v2sf) =	vpush v0, $0x0;
	_ =	sdelay $0xe  }
.Ltmp35:
0x226: {  	s0 =	spop (v2sf);
	(pc) =	sbr.rel @p0 .LBB3_34-.Ltmp35, $4  }
0x227: {  	s6 =	simm.s32 $0x0;
	p1 =	sgt.u32 s0, $0x270F0  }
0x228: {  	s4 =	sadd.s32 $0x80, s4;
	s6 =	simm.s32 @!p1 $0x200;
	s7 =	sand.u32 @!p1 $0x3FFF8, s0  }
0x229: {  	s5 =	sadd.s32 $0x1, s5;
	s0 =	sand.u32 @!p1 $0x7, s0;
	s7 =	sadd.s32 @!p1 s1, s7  }
0x22a: {  	[hbm4b:s7+s0] =	stream.linear.scatter @!p1 [tilespmem:s4], [sflag:$0x5], $0x80, $0x38;
	[tilespmem:$0x1F6E8] =	vst v63  }
.LBB3_35:
0x22b: {  	s0 =	sadd.s32 s3, s6  }
0x22c: {  	s3 =	sshrl.u32 s0, $0x2  }
.LBB3_36:
0x22d: {  	s0 =	simm.s32 $0x5  }
0x22e: {  	_ =	swait.ge [sflag:s0], s3  }
0x22f: {  	s1 =	ssub.s32 $0x0, s3;
	[sflag:s0] =	ssyncset.done $0x0  }
0x230: {  	[sflag:s0] =	ssyncadd.s32 s1  }
0x231: {  	[sflag:s0] =	ssyncpa.u1 $0x1  }
0x232: {  	s30 =	simm.s32 $0x1;
	_ =	sfence  }
0x233: {  	[sflag:s30] =	ssyncpa.u1 $0x1  }
0x234: {  	_ =	strace $0x90000050  }
0x235: {  	[bflag:$0x2] =	sbarrier.arrive $0xFFFF  }
0x236: {  	s31 =	rddreg [dreg:$0x1]  }
0x237: {  	s0 =	sadd.s32 $0x100000, s31  }
0x238: {  	[sflag:s0] =	ssyncadd.tile.s32 $0x1;
	_ =	shalt  }
.Lfunc_end3:
_tile_overlayer_lowered:
.L_overlay_start_3:
0x239: {  	(tag) =	ssettag $0x3  }
0x23a: {  	s0 =	rddreg [dreg:$0x0];
	s2 =	stileid.u32  }
0x23b: {  	s1 =	rddreg [dreg:$0x1];
	p0 =	sne.s32 s2, $0x0  }
0x23c: {  	s3 =	rddreg [dreg:$0x2];
	[bflag:$0x3] =	sbarrier.arrive $0xFFFF;
	s2 =	simm.s32 @!p0 $0x1C01  }
0x23d: {  	[timem:s3], [sflag:s2] =	dma.local @!p0 [hbm:s0], s1  }
0x23e: {  	s0 =	simm.s32 @!p0 $0x1  }
0x23f: {  	_ =	swait.ge @!p0 [sflag:s0], s1  }
0x240: {  	s1 =	ssub.s32 @!p0 $0x0, s1;
	[sflag:s0] =	ssyncset.done @!p0 $0x0  }
0x241: {  	[sflag:s0] =	ssyncadd.s32 @!p0 s1  }
0x242: {  	[bflag:$0x3] =	sbarrier.arrive $0xFFFF  }
0x243: {  	_ =	shalt  }

// kernel: scatter_offload_async_start.2
scs
__scs_entry_jumppad:
0x0: {  	(pc) =	sbr.rel $0x88, $3  }
0x1: {  	(tag) =	ssettag $0x0;
	lr =	simm.s32 $0x1  }
0x2: {  	[smem:$0x3F8E] =	sst lr;
	_ =	strace $0xD0000000  }
0x3: {  	_ = 	snop  }
0x4: {  	_ = 	snop  }
0x5: {  	_ = 	snop  }
0x6: {  	_ = 	snop  }
0x7: {  	_ = 	snop  }
__scs_overlays_trampoline_lowered:
0x8: {  	[smem:$0x3F9D] =	sst s0  }
0x9: {  	[smem:$0x3F9E] =	sst s1  }
0xa: {  	[smem:$0x3F9F] =	sst s2  }
0xb: {  	[smem:$0x3FA0] =	sst s3  }
0xc: {  	[smem:$0x3FA1] =	sst s4  }
0xd: {  	[smem:$0x3FA2] =	sst s5  }
0xe: {  	[smem:$0x3FA3] =	sst s6  }
0xf: {  	[smem:$0x3FA4] =	sst s7  }
0x10: {  	[smem:$0x3FA5] =	sst s8  }
0x11: {  	[smem:$0x3FA6] =	sst s9;
	s0 =	simm.s32 @!p0 $0x0  }
0x12: {  	s1 =	sld [smem:$0x3F8C];
	s0 =	simm.s32 @p0 $0x1  }
0x13: {  	[smem:$0x3FA7] =	sst s0;
	s0 =	simm.s32 @!p1 $0x0  }
0x14: {  	s2 =	sld [smem:$0x3F8B];
	s0 =	simm.s32 @p1 $0x1  }
0x15: {  	[smem:$0x3FA8] =	sst s0;
	s0 =	simm.s32 @!p2 $0x0  }
0x16: {  	s3 =	sld [smem:$0x3FDB];
	s0 =	simm.s32 @p2 $0x1  }
0x17: {  	s4 =	simm.s32 $0x1BF5;
	[smem:$0x3FAA] =	sst s0  }
0x18: {  	s0 =	sld [smem:$0x3F8D];
	_ =	swait.ge [sflag:s4], $0x0  }
0x19: {  	s7 =	sld [smem:$0x3F8E]  }
0x1a: {  	s8 =	sadd.s32 $0xFFFFE003, lr  }
0x1b: {  	s9 =	sadd.s32 $0xFFFFFEF7, lr;
	s5 =	simm.s32 $0xFFFFFFFF;
	p2 =	slt.u32 s8, $0xFFFFF086  }
0x1c: {  	p1 =	slt.u32 s9, $0xF7A;
	s5 =	simm.s32 @!p2 $0x0  }
0x1d: {  	s5 =	simm.s32 @p1 $0x1;
	p0 =	seq.s32 s7, s2  }
0x1e: {  	s7 =	smul.u32 @!p0 $0xF7A, s2;
	p2 =	seq.s32 @!p0 s5, $0x0  }
0x1f: {  	s9 =	smul.u32 $0xF7A, s1;
	s8 =	simm.s32 @!p0 $0x1BF5;
	p2 =	por !p2, p0  }
0x20: {  	[sflag:s8] =	ssyncset.s32 @!p0 $0xFFFFF086;
	s6 =	sadd.s32 @!p0 s3, s7;
	s7 =	simm.s32 @!p0 $0x108  }
0x21: {  	s3 =	sadd.s32 s3, s9;
	s6 =	sadd.s32 @!p0 $0x88, s6;
	s7 =	simm.s32 @p2 $0x1082  }
0x22: {  	[simem:s7], [sflag:s8] =	dma.local @!p0 [hbm:s6], $0xF7A  }
0x23: {  	s9 =	sor.u32 $0xD0000000, s2;
	s6 =	simm.s32 $0x108;
	_ =	swait.ge @!p0 [sflag:s8], $0x0  }
0x24: {  	s3 =	sadd.s32 $0x88, s3;
	s6 =	simm.s32 @!p1 $0x1082;
	[sflag:s4] =	ssyncset.s32 $0xFFFFF086  }
0x25: {  	[simem:s6], [sflag:s4] =	dma.local [hbm:s3], $0xF7A  }
0x26: {  	[smem:$0x3F8E] =	sst s1;
	(tag) =	ssettag s2;
	_ =	strace s9  }
0x27: {  	s1 =	sld [smem:$0x3F9E]  }
0x28: {  	s2 =	sld [smem:$0x3F9F]  }
0x29: {  	s4 =	sld [smem:$0x3FA1]  }
0x2a: {  	p0 =	seq.s32 s5, $0x0;
	s5 =	sld [smem:$0x3FA2]  }
0x2b: {  	s6 =	sld [smem:$0x3FA3]  }
0x2c: {  	s7 =	sld [smem:$0x3FA4]  }
0x2d: {  	s3 =	simm.s32 $0x108;
	s8 =	sld [smem:$0x3FA5]  }
0x2e: {  	s3 =	simm.s32 @!p0 $0x1082;
	s9 =	sld [smem:$0x3FA6]  }
0x2f: {  	lr =	sadd.s32 s0, s3;
	s0 =	sld [smem:$0x3F9D]  }
0x30: {  	s3 =	sld [smem:$0x3FA0]  }
0x31: {  	[smem:$0x3FA9] =	sst s10  }
0x32: {  	s10 =	sld [smem:$0x3FA7];
	_ =	sdelay $0x3  }
0x33: {  	p0 =	seq.s32 s10, $0x1;
	s10 =	sld [smem:$0x3FA9];
	_ =	sdelay $0x3  }
0x34: {  	[smem:$0x3FA9] =	sst s10  }
0x35: {  	s10 =	sld [smem:$0x3FA8];
	_ =	sdelay $0x3  }
0x36: {  	p1 =	seq.s32 s10, $0x1;
	s10 =	sld [smem:$0x3FA9];
	_ =	sdelay $0x3  }
0x37: {  	[smem:$0x3FA9] =	sst s10  }
0x38: {  	s10 =	sld [smem:$0x3FAA]  }
0x39: {  	_ = 	snop;
	(pc) =	sbr.ind lr, $3  }
0x3a: {  	_ = 	snop  }
0x3b: {  	_ = 	snop  }
0x3c: {  	p2 =	seq.s32 s10, $0x1;
	s10 =	sld [smem:$0x3FA9]  }
0x3d: {  	_ =	shalt  }
0x3e: {  	_ =	shalt  }
0x3f: {  	_ =	shalt  }
0x40: {  	_ =	shalt  }
0x41: {  	_ =	shalt  }
0x42: {  	_ =	shalt  }
0x43: {  	_ =	shalt  }
0x44: {  	_ =	shalt  }
0x45: {  	_ =	shalt  }
0x46: {  	_ =	shalt  }
0x47: {  	_ =	shalt  }
0x48: {  	_ =	shalt  }
0x49: {  	_ =	shalt  }
0x4a: {  	_ =	shalt  }
0x4b: {  	_ =	shalt  }
0x4c: {  	_ =	shalt  }
0x4d: {  	_ =	shalt  }
0x4e: {  	_ =	shalt  }
0x4f: {  	_ =	shalt  }
0x50: {  	_ =	shalt  }
0x51: {  	_ =	shalt  }
0x52: {  	_ =	shalt  }
0x53: {  	_ =	shalt  }
0x54: {  	_ =	shalt  }
0x55: {  	_ =	shalt  }
0x56: {  	_ =	shalt  }
0x57: {  	_ =	shalt  }
0x58: {  	_ =	shalt  }
0x59: {  	_ =	shalt  }
0x5a: {  	_ =	shalt  }
0x5b: {  	_ =	shalt  }
0x5c: {  	_ =	shalt  }
0x5d: {  	_ =	shalt  }
0x5e: {  	_ =	shalt  }
0x5f: {  	_ =	shalt  }
0x60: {  	_ =	shalt  }
0x61: {  	_ =	shalt  }
0x62: {  	_ =	shalt  }
0x63: {  	_ =	shalt  }
0x64: {  	_ =	shalt  }
0x65: {  	_ =	shalt  }
0x66: {  	_ =	shalt  }
0x67: {  	_ =	shalt  }
0x68: {  	_ =	shalt  }
0x69: {  	_ =	shalt  }
0x6a: {  	_ =	shalt  }
0x6b: {  	_ =	shalt  }
0x6c: {  	_ =	shalt  }
0x6d: {  	_ =	shalt  }
0x6e: {  	_ =	shalt  }
0x6f: {  	_ =	shalt  }
0x70: {  	_ =	shalt  }
0x71: {  	_ =	shalt  }
0x72: {  	_ =	shalt  }
0x73: {  	_ =	shalt  }
0x74: {  	_ =	shalt  }
0x75: {  	_ =	shalt  }
0x76: {  	_ =	shalt  }
0x77: {  	_ =	shalt  }
0x78: {  	_ =	shalt  }
0x79: {  	_ =	shalt  }
0x7a: {  	_ =	shalt  }
0x7b: {  	_ =	shalt  }
0x7c: {  	_ =	shalt  }
0x7d: {  	_ =	shalt  }
0x7e: {  	_ =	shalt  }
0x7f: {  	_ =	shalt  }
0x80: {  	_ =	shalt  }
0x81: {  	_ =	shalt  }
0x82: {  	_ =	shalt  }
0x83: {  	_ =	shalt  }
0x84: {  	_ =	shalt  }
0x85: {  	_ =	shalt  }
0x86: {  	_ =	shalt  }
0x87: {  	_ =	shalt  }
.Lfunc_end0:
.L_simem_size_0:
called_computation.2_lowered:
.L_overlay_start_0:
0x88: {  	s0 =	sld [smem:$0x3FD9]  }
0x89: {  	s1 =	sld [smem:$0x3FFE];
	_ =	sdelay $0x3  }
0x8a: {  	s0 =	sadd.s32 s1, s0  }
0x8b: {  	[smem:$0x3FB5] =	sst s0  }
0x8c: {  	_ = 	snop  }
0x8d: {  	s0 =	sld [smem:$0x3FD0];
	(tm) =	ssettm $0x1  }
0x8e: {  	s16 =	sld [smem:$0x3FFB];
	_ =	sdelay $0x3  }
0x8f: {  	_ =	strace s16  }
0x90: {  	s1 =	sld [smem:$0x3FFC];
	_ =	sdelay $0x3  }
0x91: {  	_ =	strace s1  }
0x92: {  	s1 =	sld [smem:$0x3FFD];
	_ =	sdelay $0x3  }
0x93: {  	_ =	strace s1  }
0x94: {  	_ =	strace $0x8FFFFFFF  }
0x95: {  	s17 =	sld [smem:$0x3FDB];
	_ =	sdelay $0x1  }
0x96: {  	s2 =	simm.s32 $_scs_section_size  }
0x97: {  	s3 =	simm.s32 $_size__tile_overlayer_lowered;
	s4 =	simm.s32 $_tile_overlayer_lowered  }
0x98: {  	s20 =	simm.s32 $0x1BFF;
	s19 =	sshll.u32 s4, $0x1;
	s1 =	sadd.s32 s2, s17  }
0x99: {  	s5 =	simm.s32 $0x0;
	s18 =	sshll.u32 s3, $0x1;
	s3 =	sadd.s32 s19, s1  }
0x9a: {  	[timem:s5], [sflag:s20] =	dma.local [hbm:s3], s18  }
0x9b: {  	_ =	swait.ge [sflag:s20], s18  }
0x9c: {  	s2 =	ssub.s32 $0x0, s18;
	[sflag:s20] =	ssyncset.done $0x0  }
0x9d: {  	[sflag:s20] =	ssyncadd.s32 s2;
	_ =	sdelay $0x1  }
0x9e: {  	s21 =	simm.s32 $0x1B8B  }
0x9f: {  	_ =	swait.ge [sflag:s21], $0x1  }
0xa0: {  	[sflag:s21] =	ssyncset.done $0x0  }
0xa1: {  	s23 =	simm.s32 $0x1B8E;
	s22 =	sld [smem:$0x3FFE];
	[sflag:s21] =	ssyncadd.s32 $0xFFFFFFFF  }
0xa2: {  	s24 =	simm.s32 $execute0_lowered;
	[smem:$0x3FD2] =	sst s23  }
0xa3: {  	s3 =	sshll.u32 s24, $0x1;
	_ =	strace $0x80000052;
	[dreg:$0x1] =	wrdreg $0xFFFFFFFF  }
0xa4: {  	s25 =	simm.s32 $_size_execute0_lowered;
	s1 =	sadd.s32 s1, s3;
	[dreg:$0x0] =	wrdreg $0x0  }
0xa5: {  	s3 =	sshll.u32 s25, $0x1;
	[dreg:$0x2] =	wrdreg s1  }
0xa6: {  	[dreg:$0x3] =	wrdreg s3  }
0xa7: {  	[dreg:$0x4] =	wrdreg $0xC0  }
0xa8: {  	_ =	task [dreg:s5], $0x5FFFF  }
0xa9: {  	[dreg:$0x1] =	wrdreg $0xFFFFFFFF  }
0xaa: {  	[dreg:$0x0] =	wrdreg $0x60  }
0xab: {  	[dreg:$0x2] =	wrdreg s0  }
0xac: {  	[dreg:$0x3] =	wrdreg s22  }
0xad: {  	[dreg:$0x4] =	wrdreg $0x9  }
0xae: {  	_ =	task.clear_ibuf [dreg:s5], $0x5FFFF;
	_ =	strace $0x90000052  }
0xaf: {  	s26 =	simm.s32 $0x9;
	_ =	strace $0x80000054  }
0xb0: {  	_ =	swait.ge [sflag:s26], $0x1  }
0xb1: {  	[sflag:s26] =	ssyncadd.s32 $0xFFFFFFFF  }
0xb2: {  	_ =	strace $0x90000054  }
0xb3: {  	_ =	sfence  }
0xb4: {  	s28 =	sld [smem:$0x0];
	_ =	sdelay $0x1  }
0xb5: {  	s29 =	srdreg.scid  }
0xb6: {  	s30 =	sshll.u32 s29, $0xD;
	s31 =	sshrl.u32 s29, $0x2  }
0xb7: {  	s2 =	sand.u32 $0x4000, s30;
	s1 =	sand.u32 $0x1, s29;
	s0 =	sadd.s32 s31, s28  }
0xb8: {  	s1 =	sor.u32 s2, s1;
	s0 =	sshll.u32 s0, $0x11  }
0xb9: {  	s0 =	sor.u32 s0, s1  }
0xba: {  	s0 =	sadd.s32 $0x8F2B, s0  }
0xbb: {  	[sflag:s0] =	ssyncadd.remote.s32 $0x1  }
0xbc: {  	_ =	sfence.sel $0xFFFF  }
0xbd: {  	[dreg:$0x0] =	wrdreg $0xFFFFFFFF;
	(pc) =	sbr.abs _section_cstart, $3  }
0xbe: {  	[dreg:$0x1] =	wrdreg $0xFFFFFFFF  }
0xbf: {  	_ =	task.clear_ibuf [dreg:s5], $0x2FFFF;
	_ =	strace $0x9FFFFFFF  }
0xc0: {  	(tm) =	ssettm $0x7FFFFFFF  }
0xc1: {  	_ =	shalt  }
tec
execute0_lowered:
.L_overlay_start_1:
0x0: {  	(tag) =	ssettag $0x1  }
0x1: {  	s1 =	rddreg [dreg:$0x0]  }
0x2: {  	s0 =	rddreg [dreg:$0x1];
	_ =	strace $0x80000053;
	s2 =	simm.s32 $0x1  }
0x3: {  	s8 =	simm.s32 $0x108;
	v0 =	vimm.s32 $0x0;
	[sflag:s2] =	ssyncpa.u1 $0x0  }
0x4: {  	[tilespmem:s8+$0x70] =	vst v0  }
0x5: {  	[tilespmem:s8+$0x60] =	vst v0  }
0x6: {  	[tilespmem:s8+$0x50] =	vst v0  }
0x7: {  	[tilespmem:s8+$0x40] =	vst v0  }
0x8: {  	[tilespmem:s8+$0x30] =	vst v0  }
0x9: {  	s3 =	sadd.s32 $0xD200, s0;
	[tilespmem:s8+$0x20] =	vst v0  }
0xa: {  	s4 =	sadd.s32 $0x375A00, s0;
	s5 =	sadd.s32 $0x13A00, s0;
	s2 =	simm.s32 $0x40;
	[tilespmem:s8+$0x10] =	vst v0  }
.LBB2_1:
0xb: {  	s2 =	sadd.s32 $0x40, s2;
	[tilespmem:s8+$0x0] =	vst v0;
	s8 =	sadd.s32 $0x80, s8  }
0xc: {  	p0 =	slt.u32 s2, $0x3C40;
	[tilespmem:s8+$0x70] =	vst v0  }
0xd: {  	[tilespmem:s8+$0x60] =	vst v0  }
.Ltmp0:
0xe: {  	[tilespmem:s8+$0x50] =	vst v0;
	(pc) =	sbr.rel @p0 .LBB2_1-.Ltmp0, $4  }
0xf: {  	[tilespmem:s8+$0x40] =	vst v0  }
0x10: {  	[tilespmem:s8+$0x30] =	vst v0  }
0x11: {  	[tilespmem:s8+$0x20] =	vst v0  }
0x12: {  	[tilespmem:s8+$0x10] =	vst v0  }
0x13: {  	s13 =	stileid.u32  }
0x14: {  	s0 =	smul.u32 $0x36, s13  }
0x15: {  	s2 =	smin.u32 s13, $0xB  }
0x16: {  	s0 =	sadd.s32 s2, s0  }
0x17: {  	p0 =	slt.u32 s13, $0xB;
	s6 =	smul.u32 $0xF0, s0;
	s0 =	simm.s32 $0x3390  }
0x18: {  	s0 =	simm.s32 @!p0 $0x32A0  }
0x19: {  	s0 =	sadd.s32 s0, s6  }
0x1a: {  	s7 =	smin.u32 s0, $0x33450  }
0x1b: {  	s0 =	ssub.s32 s7, s6  }
0x1c: {  	p0 =	sgt.s32 s0, $0x0  }
0x1d: {  	s0 =	simm.s32 @!p0 $0x0  }
0x1e: {  	s31 =	smulhi.u32 $0x88888889, s0  }
0x1f: {  	s30 =	simm.s32 $0x2;
	s9 =	simm.s32 $0x7;
	s10 =	simm.s32 $0x8  }
0x20: {  	s19 =	simm.s32 $0x0;
	s15 =	simm.s32 $0xA;
	s2 =	sshrl.u32 s31, $0x7  }
0x21: {  	s17 =	simm.s32 $0x0;
	s18 =	simm.s32 $0x0;
	s11 =	smul.u32 $0xF0, s2  }
.Ltmp1:
0x22: {  	[tilespmem:s8+$0x0] =	vst v0;
	v0 =	vimm.s32 $0xFFFFFFFF;
	[sflag:s30] =	ssyncpa.u1 $0x0;
	s13 =	sshll.u32 s13, $0x8;
	(pc) =	sbr.rel .LBB2_3-.Ltmp1, $4  }
0x23: {  	[tilespmem:$0xF208] =	vst v0;
	[sflag:s9] =	ssyncpa.u1 $0x0;
	p0 =	sne.s32 s0, s11;
	s0 =	simm.s32 $0x1  }
0x24: {  	[sflag:s10] =	ssyncpa.u1 $0x0;
	s10 =	simm.s32 $0x9;
	s0 =	simm.s32 @!p0 $0x0  }
0x25: {  	[sflag:s10] =	ssyncpa.u1 $0x0;
	s16 =	smov.u32 s6;
	s12 =	sadd.s32 s0, s2  }
0x26: {  	v0 =	vlaneseq.u32;
	s11 =	simm.s32 $0x1;
	p0 =	por $0x0, $0x0;
	s14 =	sadd.s32 $0x1, s12  }
.LBB2_18:
0x27: {  	s0 =	sshrl.u32 s28, $0x2  }
.LBB2_20:
0x28: {  	_ =	swait.ge [sflag:s15], s0  }
0x29: {  	s31 =	ssub.s32 $0x0, s0;
	v1 =	vmov s21;
	vm0 =	veq.s32 v0, $0x0;
	[sflag:s15] =	ssyncset.done $0x0  }
0x2a: {  	vm15 =	veq.s32 v0, $0x2;
	v1 =	vsel vm0, s26, v1;
	[sflag:s15] =	ssyncadd.s32 s31  }
0x2b: {  	v1 =	vsel vm15, s19, v1;
	[sflag:s15] =	ssyncpa.u1 $0x1  }
0x2c: {  	[tilespmem:$0xF208] =	vst v1  }
.LBB2_21:
0x2d: {  	s0 =	sadd.s32 $0xF0, s16  }
0x2e: {  	s2 =	smov.u32 s6;
	p1 =	slt.s32 s0, s7  }
0x2f: {  	s2 =	smov.u32 @p1 s0;
	p1 =	sne.s32 s18, s14  }
.Ltmp2:
0x30: {  	_ = 	snop;
	(pc) =	sbr.rel @!p1 .LBB2_22-.Ltmp2, $3  }
0x31: {  	_ =	sdelay $0x1  }
0x32: {  	s19 =	smov.u32 s17;
	s31 =	sadd.s32 $0x1, s18;
	s17 =	smov.u32 s16  }
0x33: {  	p0 =	por !p0, !p0;
	s18 =	smov.u32 s31;
	s16 =	smov.u32 s2  }
.LBB2_3:
0x34: {  	p1 =	sge.u32 s18, s12  }
0x35: {  	s0 =	smulhi.u32 @!p1 $0xAAAAAAAB, s18  }
0x36: {  	s2 =	smov.u32 s16;
	p2 =	sgt.s32 @!p1 s16, $0x33360  }
0x37: {  	s20 =	sshra.s32 @!p1 s16, $0x1F;
	p2 =	por !p2, p1;
	s0 =	sshrl.u32 @!p1 s0, $0x1  }
0x38: {  	s20 =	sand.u32 @!p1 s20, s16;
	s2 =	simm.s32 @p2 $0x33360;
	s0 =	smul.u32 @!p1 $0x3, s0  }
0x39: {  	s2 =	ssub.s32 @!p1 s2, s20  }
0x3a: {  	s2 =	sadd.s32 @!p1 $0xFFFCCCA0, s2;
	s0 =	ssub.s32 @!p1 s18, s0  }
0x3b: {  	s20 =	sshll.u32 @!p1 s2, $0x2;
	p2 =	sgt.s32 @!p1 s2, $0xEF;
	s0 =	smul.u32 @!p1 $0x3C0, s0  }
0x3c: {  	s21 =	sand.u32 @!p1 $0x7, s16;
	s2 =	ssub.s32 @!p1 $0x3C0, s20;
	p2 =	por !p2, p1  }
0x3d: {  	s20 =	sshrl.u32 @!p1 s16, $0x3;
	s2 =	sshrl.u32 @!p1 s2, $0x2;
	s0 =	sshrl.u32 @!p1 s0, $0x2  }
0x3e: {  	s20 =	sadd.s32 @!p1 s5, s20;
	s2 =	simm.s32 @!p2 $0x0;
	s0 =	sadd.s32 @!p1 $0x10238, s0  }
0x3f: {  	[tilespmem:s0], [sflag:$0x8] =	stream.linear.gather @!p1 [hbm4b:s20+s21], s2, $0x38;
	[tilespmem:$0x1F6E8] =	vst v63  }
0x40: {  	s0 =	sadd.s32 $0xFFFFFFFF, s18  }
0x41: {  	p1 =	sge.u32 s0, s12  }
0x42: {  	p2 =	sgt.s32 @!p1 s17, $0x33360  }
0x43: {  	s2 =	smov.u32 s17;
	s20 =	sshra.s32 @!p1 s17, $0x1F;
	p2 =	por !p2, p1  }
0x44: {  	s20 =	sand.u32 @!p1 s20, s17;
	s2 =	simm.s32 @p2 $0x33360  }
0x45: {  	s2 =	ssub.s32 @!p1 s2, s20  }
0x46: {  	s2 =	sadd.s32 @!p1 $0xFFFCCCA0, s2  }
0x47: {  	s21 =	smulhi.u32 @!p1 $0xAAAAAAAB, s0;
	s22 =	sand.u32 @!p1 $0x1, s0;
	s20 =	sshll.u32 @!p1 s2, $0x2  }
0x48: {  	s24 =	smul.u32 @!p1 $0x3C0, s22;
	p2 =	sgt.s32 @!p1 s2, $0xEF;
	s2 =	ssub.s32 @!p1 $0x3C0, s20  }
0x49: {  	p2 =	por !p2, p1;
	s20 =	sshrl.u32 @!p1 s21, $0x1;
	s2 =	sshrl.u32 @!p1 s2, $0x2  }
0x4a: {  	s21 =	simm.s32 @!p1 $0x8;
	s20 =	smul.u32 @!p1 $0x3, s20;
	s2 =	simm.s32 @!p2 $0x0  }
0x4b: {  	s22 =	smul.u32 @!p1 $0x1E000, s22;
	_ =	swait.ge @!p1 [sflag:s21], s2;
	s23 =	ssub.s32 @!p1 $0x0, s2  }
0x4c: {  	s0 =	ssub.s32 @!p1 s0, s20;
	s20 =	sshrl.u32 @!p1 s17, $0x3;
	[sflag:s21] =	ssyncset.done @!p1 $0x0  }
0x4d: {  	s20 =	sadd.s32 @!p1 s3, s20;
	[sflag:s21] =	ssyncadd.s32 @!p1 s23;
	s21 =	sshrl.u32 @!p1 s24, $0x2  }
0x4e: {  	s0 =	smul.u32 @!p1 $0x3C0, s0;
	s23 =	sand.u32 @!p1 $0x7, s17;
	s21 =	sor.u32 @!p1 $0x10508, s21  }
0x4f: {  	[tilespmem:s21], [sflag:$0x9] =	stream.linear.gather @!p1 [hbm4b:s20+s23], s2, $0x38;
	[tilespmem:$0x1F6E8] =	vst v63  }
0x50: {  	s0 =	sshrl.u32 @!p1 s0, $0x2;
	s2 =	sshrl.u32 @!p1 s22, $0x2  }
0x51: {  	s0 =	sadd.s32 @!p1 $0x10238, s0;
	s20 =	simm.s32 @!p1 $0xF0;
	s2 =	sor.u32 @!p1 $0x106E8, s2  }
0x52: {  	[tilespmem:s2], [sflag:$0x7] =	stream.indirect.gather @!p1 [hbm4b:s4+s20], $0x80, s0, s20, $0xb8;
	[tilespmem:$0x1F6E8] =	vst v63  }
0x53: {  	p1 =	slt.u32 s18, $0x2  }
.Ltmp3:
0x54: {  	_ = 	snop;
	(pc) =	sbr.rel @p1 .LBB2_21-.Ltmp3, $1  }
0x55: {  	_ =	sdelay $0x3  }
0x56: {  	p1 =	sgt.s32 s19, $0x33360;
	s0 =	smov.u32 s19;
	s2 =	sshra.s32 s19, $0x1F  }
0x57: {  	s0 =	simm.s32 @!p1 $0x33360;
	s2 =	sand.u32 s2, s19  }
0x58: {  	s0 =	ssub.s32 s0, s2  }
0x59: {  	s0 =	sadd.s32 $0xFFFCCCA0, s0  }
0x5a: {  	s30 =	sshll.u32 s0, $0x2  }
0x5b: {  	_ =	swait.ge [sflag:s9], $0x7800;
	s2 =	ssub.s32 $0x3C0, s30  }
0x5c: {  	[sflag:s9] =	ssyncset.done $0x0;
	p1 =	sgt.s32 s0, $0xEF;
	s0 =	sshrl.u32 s2, $0x2  }
0x5d: {  	[sflag:s9] =	ssyncadd.s32 $0xFFFF8800;
	s0 =	simm.s32 @p1 $0x0  }
0x5e: {  	_ =	swait.ge [sflag:s10], s0  }
0x5f: {  	s0 =	ssub.s32 $0x0, s0;
	[sflag:s10] =	ssyncset.done $0x0  }
0x60: {  	[sflag:s10] =	ssyncadd.s32 s0  }
0x61: {  	v1 =	vld [tilespmem:$0xF208];
	_ =	sdelay $0x4  }
0x62: {  	(v2sf) =	vpush v1, $0x0  }
0x63: {  	(v2sf) =	vpush v1, $0x1  }
0x64: {  	(v2sf) =	vpush v1, $0x2;
	_ =	sdelay $0x3  }
0x65: {  	s0 =	sadd.s32 $0xF0, s19  }
0x66: {  	s2 =	ssub.s32 $0x33450, s19;
	p1 =	slt.s32 s7, s0  }
0x67: {  	s0 =	smov.u32 @p1 s7;
	p1 =	sgt.s32 s2, $0x0  }
0x68: {  	s23 =	ssub.s32 s0, s19;
	s2 =	simm.s32 @!p1 $0x0  }
0x69: {  	p1 =	slt.s32 s2, s23  }
0x6a: {  	s23 =	smov.u32 @p1 s2  }
0x6b: {  	s22 =	simm.s32 $0x1;
	p1 =	slt.s32 s23, $0x1  }
.Ltmp4:
0x6c: {  	s22 =	simm.s32 @!p0 $0x0;
	(pc) =	sbr.rel @p1 .LBB2_8-.Ltmp4, $4  }
0x6d: {  	s31 =	smul.u32 $0x3C0, s22  }
0x6e: {  	s24 =	spop (v2sf)  }
0x6f: {  	s0 =	sshrl.u32 s31, $0x2;
	s26 =	spop (v2sf)  }
0x70: {  	s20 =	sor.u32 $0x10508, s0;
	s19 =	spop (v2sf)  }
0x71: {  	s0 =	smin.u32 s23, $0x10  }
0x72: {  	v1 =	vmov s0  }
0x73: {  	p2 =	sgt.s32 s23, $0x10;
	vm1 =	vgt.u32 v1, v0  }
.Ltmp5:
0x74: {  	_ = 	snop;
	(pc) =	sbr.rel @!p2 .LBB2_7-.Ltmp5, $2  }
0x75: {  	_ =	sdelay $0x2  }
0x76: {  	s25 =	simm.s32 $0x10;
	s28 =	sadd.s32 $0xFFFFFFF0, s23;
	s21 =	smov.u32 s20;
	vm0 =	vmmov vm1  }
.LBB2_6:
0x77: {  	s0 =	smin.u32 s28, $0x10;
	s25 =	sadd.s32 $0x10, s25;
	v1 =	vld.msk [tilespmem:s21+$0x0 ss:$0x1], vm1  }
0x78: {  	v2 =	vmov s0;
	p2 =	slt.s32 s25, s23  }
0x79: {  	vm1 =	vgt.u32 v2, v0  }
.Ltmp6:
0x7a: {  	(pc) =	sbr.rel @p2 .LBB2_6-.Ltmp6, $3  }
0x7b: {  	_ =	sdelay $0x1  }
0x7c: {  	v1 =	vshll.u32 v1, $0x4  }
0x7d: {  	s28 =	sadd.s32 $0xFFFFFFF0, s28;
	[tilespmem:s21+$0x0] =	vst.msk vm0, v1;
	s21 =	sadd.s32 $0x10, s21;
	vm0 =	vmmov vm1  }
.LBB2_7:
0x7e: {  	_ =	sdelay $0x4  }
0x7f: {  	v1 =	vld.msk [tilespmem:s21+$0x0 ss:$0x1], vm1;
	_ =	sdelay $0x4  }
0x80: {  	v1 =	vshll.u32 v1, $0x4  }
0x81: {  	[tilespmem:s21+$0x0] =	vst.msk vm0, v1  }
.LBB2_8:
0x82: {  	s0 =	sand.u32 $0x1, s18  }
0x83: {  	s0 =	smul.u32 $0xF0, s0  }
0x84: {  	p2 =	sne.s32 s26, $0xFFFFFFFF  }
0x85: {  	v1 =	vld.msk @!p2 [tilespmem:s0+$0x10508], $0x1;
	_ =	sdelay $0x4  }
0x86: {  	(v2sf) =	vpush @!p2 v1, $0x0;
	_ =	sdelay $0xc  }
.Ltmp7:
0x87: {  	_ = 	snop;
	(pc) =	sbr.rel @p1 .LBB2_19-.Ltmp7, $4  }
0x88: {  	_ = 	snop  }
0x89: {  	s25 =	spop @!p2 (v2sf)  }
0x8a: {  	s19 =	simm.s32 @!p2 $0x0;
	s21 =	smov.u32 s25  }
0x8b: {  	[sflag:s15] =	ssyncpa.u1 $0x0;
	s25 =	smov.u32 @p2 s24;
	s21 =	smov.u32 @p2 s26  }
0x8c: {  	v1 =	vld.msk [tilespmem:s20+$0x0], $0x1;
	_ =	sdelay $0x4  }
0x8d: {  	(v2sf) =	vpush v1, $0x0;
	_ =	sdelay $0xe  }
0x8e: {  	s0 =	smul.u32 $0x1E000, s22;
	s29 =	spop (v2sf)  }
0x8f: {  	s23 =	ssub.s32 $0x0, s23;
	p1 =	seq.s32 s25, s29  }
0x90: {  	s26 =	sadd.s32 $0x1, s23;
	s0 =	sshrl.u32 s0, $0x2;
	p2 =	sgt.s32 @!p1 s25, $0x0  }
0x91: {  	s22 =	sor.u32 $0x10728, s0;
	s0 =	smov.u32 s25;
	p2 =	por !p2, p1  }
0x92: {  	s0 =	simm.s32 @p2 $0x0;
	p2 =	seq.s32 s26, $0x0  }
.Ltmp8:
0x93: {  	_ = 	snop;
	(pc) =	sbr.rel @p2 .LBB2_11-.Ltmp8, $4  }
0x94: {  	_ = 	snop  }
0x95: {  	s24 =	simm.s32 $0x0;
	s28 =	sadd.s32 $0x1, s20;
	s0 =	smin.u32 @!p1 s0, $0x270F0  }
0x96: {  	s30 =	simm.s32 @!p1 $0x1;
	s31 =	simm.s32 @!p1 $0x7988;
	s2 =	sand.u32 @!p1 $0x3FFF8, s0  }
0x97: {  	s30 =	smov.u32 @p1 s24;
	s0 =	sand.u32 @!p1 $0x7, s0;
	s2 =	sadd.s32 @!p1 s1, s2  }
.LBB2_10:
0x98: {  	s8 =	smov.u32 s30  }
0x99: {  	[tilespmem:s31], [sflag:$0x2] =	stream.linear.gather @!p1 [hbm4b:s2+s0], $0x80, $0x38;
	[tilespmem:$0x1F6E8] =	vst v63  }
0x9a: {  	s26 =	sadd.s32 $0x1, s26;
	s0 =	smov.u32 s29;
	v1 =	vld.msk [tilespmem:s28+$0x0], $0x1  }
0x9b: {  	p2 =	seq.s32 s26, $0x0;
	_ =	sdelay $0x3  }
0x9c: {  	(v2sf) =	vpush v1, $0x0;
	_ =	sdelay $0xe  }
0x9d: {  	s29 =	spop (v2sf)  }
0x9e: {  	p1 =	seq.s32 s0, s29  }
0x9f: {  	p3 =	sgt.s32 @!p1 s0, $0x0;
	s2 =	sshll.u32 @!p1 s30, $0x9;
	s30 =	sadd.s32 @!p1 $0x1, s30  }
.Ltmp9:
0xa0: {  	p3 =	por !p3, p1;
	s2 =	sshra.s32 @!p1 s2, $0x2;
	(pc) =	sbr.rel @!p2 .LBB2_10-.Ltmp9, $4  }
0xa1: {  	s30 =	smov.u32 @p1 s8;
	s0 =	simm.s32 @p3 $0x0;
	s31 =	sadd.s32 @!p1 $0x7988, s2  }
0xa2: {  	s0 =	smin.u32 @!p1 s0, $0x270F0  }
0xa3: {  	s2 =	sand.u32 @!p1 $0x3FFF8, s0;
	s0 =	sand.u32 @!p1 $0x7, s0  }
0xa4: {  	s28 =	sadd.s32 $0x1, s28;
	s2 =	sadd.s32 @!p1 s1, s2  }
.LBB2_11:
0xa5: {  	[tilespmem:s31], [sflag:$0x2] =	stream.linear.gather @!p1 [hbm4b:s2+s0], $0x80, $0x38;
	[tilespmem:$0x1F6E8] =	vst v63  }
.Ltmp10:
0xa6: {  	s30 =	sshll.u32 s30, $0x7;
	(pc) =	sbr.rel .LBB2_12-.Ltmp10, $4  }
0xa7: {  	s31 =	simm.s32 $0x2;
	s0 =	sand.u32 $0x3FFFFF80, s30  }
0xa8: {  	_ =	swait.ge [sflag:s31], s0  }
0xa9: {  	s0 =	ssub.s32 $0x0, s0;
	[sflag:s31] =	ssyncset.done $0x0  }
0xaa: {  	s28 =	simm.s32 $0x0;
	[sflag:s31] =	ssyncadd.s32 s0  }
.LBB2_13:
0xab: {  	v1 =	vld [tilespmem:s22+$0xFFFFFFC0];
	_ =	sdelay $0x3  }
0xac: {  	s0 =	sshra.s32 s0, $0x2  }
0xad: {  	[tilespmem:s0+$0x108] =	vst.add.f32.msk $0xffff, v1  }
0xae: {  	v1 =	vld [tilespmem:s22+$0xFFFFFFD0];
	_ =	sdelay $0x4  }
0xaf: {  	[tilespmem:s0+$0x118] =	vst.add.f32.msk $0xffff, v1  }
0xb0: {  	v1 =	vld [tilespmem:s22+$0xFFFFFFE0];
	_ =	sdelay $0x4  }
0xb1: {  	[tilespmem:s0+$0x128] =	vst.add.f32.msk $0xffff, v1  }
0xb2: {  	v1 =	vld [tilespmem:s22+$0xFFFFFFF0];
	_ =	sdelay $0x4  }
0xb3: {  	[tilespmem:s0+$0x138] =	vst.add.f32.msk $0xffff, v1  }
0xb4: {  	v1 =	vld [tilespmem:s22+$0x0];
	_ =	sdelay $0x4  }
0xb5: {  	[tilespmem:s0+$0x148] =	vst.add.f32.msk $0xffff, v1  }
0xb6: {  	v1 =	vld [tilespmem:s22+$0x10];
	_ =	sdelay $0x4  }
0xb7: {  	[tilespmem:s0+$0x158] =	vst.add.f32.msk $0xffff, v1  }
0xb8: {  	v1 =	vld [tilespmem:s22+$0x20];
	_ =	sdelay $0x4  }
0xb9: {  	[tilespmem:s0+$0x168] =	vst.add.f32.msk $0xffff, v1  }
0xba: {  	v1 =	vld [tilespmem:s22+$0x30];
	_ =	sdelay $0x4  }
0xbb: {  	[tilespmem:s0+$0x178] =	vst.add.f32.msk $0xffff, v1  }
.LBB2_17:
0xbc: {  	s23 =	sadd.s32 $0x1, s23  }
0xbd: {  	p1 =	seq.s32 s23, $0x0  }
.Ltmp11:
0xbe: {  	_ = 	snop;
	(pc) =	sbr.rel @p1 .LBB2_18-.Ltmp11, $2  }
0xbf: {  	_ =	sdelay $0x2  }
0xc0: {  	s20 =	sadd.s32 $0x1, s20;
	s22 =	sadd.s32 $0x80, s22;
	s25 =	smov.u32 s26  }
.LBB2_12:
0xc1: {  	v1 =	vld.msk [tilespmem:s20+$0x0], $0x1;
	_ =	sdelay $0x4  }
0xc2: {  	(v2sf) =	vpush v1, $0x0;
	_ =	sdelay $0xe  }
0xc3: {  	s26 =	spop (v2sf)  }
0xc4: {  	p1 =	sne.s32 s25, s26  }
.Ltmp12:
0xc5: {  	_ = 	snop;
	(pc) =	sbr.rel @!p1 .LBB2_13-.Ltmp12, $2  }
0xc6: {  	_ =	sdelay $0x2  }
0xc7: {  	s0 =	sshll.u32 s19, $0x9  }
0xc8: {  	p1 =	seq.s32 s25, s21  }
.Ltmp13:
0xc9: {  	_ = 	snop;
	(pc) =	sbr.rel @!p1 .LBB2_15-.Ltmp13, $1  }
0xca: {  	_ =	sdelay $0x3  }
0xcb: {  	s0 =	sshra.s32 s0, $0x2  }
.Ltmp14:
0xcc: {  	s0 =	sadd.s32 $0x108, s0;
	(pc) =	sbr.rel .LBB2_16-.Ltmp14, $4  }
0xcd: {  	[spmem:s13] =	stream.linear.scatter [tilespmem:s0], [sflag:$0x1], $0x80, $0x38;
	[tilespmem:$0x1F6E8] =	vst v63  }
0xce: {  	_ =	swait.ge [sflag:s11], $0x80  }
0xcf: {  	[sflag:s11] =	ssyncset.done $0x0  }
0xd0: {  	[sflag:s11] =	ssyncadd.s32 $0xFFFFFF80  }
.LBB2_15:
0xd1: {  	s2 =	sshll.u32 s24, $0x9  }
0xd2: {  	s2 =	sshra.s32 s2, $0x2  }
0xd3: {  	v1 =	vld [tilespmem:s2+$0x7988];
	_ =	sdelay $0x3  }
0xd4: {  	s0 =	sshra.s32 s0, $0x2  }
0xd5: {  	[tilespmem:s0+$0x108] =	vst.add.f32.msk $0xffff, v1  }
0xd6: {  	v1 =	vld [tilespmem:s2+$0x7998];
	_ =	sdelay $0x4  }
0xd7: {  	[tilespmem:s0+$0x118] =	vst.add.f32.msk $0xffff, v1  }
0xd8: {  	v1 =	vld [tilespmem:s2+$0x79A8];
	_ =	sdelay $0x4  }
0xd9: {  	[tilespmem:s0+$0x128] =	vst.add.f32.msk $0xffff, v1  }
0xda: {  	v1 =	vld [tilespmem:s2+$0x79B8];
	_ =	sdelay $0x4  }
0xdb: {  	[tilespmem:s0+$0x138] =	vst.add.f32.msk $0xffff, v1  }
0xdc: {  	v1 =	vld [tilespmem:s2+$0x79C8];
	_ =	sdelay $0x4  }
0xdd: {  	[tilespmem:s0+$0x148] =	vst.add.f32.msk $0xffff, v1  }
0xde: {  	v1 =	vld [tilespmem:s2+$0x79D8];
	_ =	sdelay $0x4  }
0xdf: {  	[tilespmem:s0+$0x158] =	vst.add.f32.msk $0xffff, v1  }
0xe0: {  	v1 =	vld [tilespmem:s2+$0x79E8];
	_ =	sdelay $0x4  }
0xe1: {  	[tilespmem:s0+$0x168] =	vst.add.f32.msk $0xffff, v1  }
0xe2: {  	v1 =	vld [tilespmem:s2+$0x79F8];
	_ =	sdelay $0x2  }
0xe3: {  	p1 =	sgt.u32 s25, $0x270F0  }
0xe4: {  	s2 =	sand.u32 @!p1 $0x3FFF8, s25  }
0xe5: {  	s8 =	sadd.s32 $0x108, s0;
	[tilespmem:s0+$0x178] =	vst.add.f32.msk $0xffff, v1;
	s0 =	sadd.s32 @!p1 s1, s2;
	s2 =	sand.u32 @!p1 $0x7, s25  }
0xe6: {  	[hbm4b:s0+s2] =	stream.linear.scatter @!p1 [tilespmem:s8], [sflag:$0xA], $0x80, $0x38;
	[tilespmem:$0x1F6E8] =	vst v63  }
0xe7: {  	s0 =	simm.s32 $0x0  }
0xe8: {  	s0 =	simm.s32 @!p1 $0x200  }
0xe9: {  	s28 =	sadd.s32 s0, s28  }
.LBB2_16:
0xea: {  	s0 =	sadd.s32 $0x1, s19  }
0xeb: {  	s2 =	smulhi.u32 $0x88888889, s0;
	_ =	sdelay $0x1  }
0xec: {  	v1 =	vld [tilespmem:s22+$0xFFFFFFC0];
	s2 =	sshrl.u32 s2, $0x7  }
0xed: {  	s2 =	smul.u32 $0xF0, s2;
	_ =	sdelay $0x1  }
0xee: {  	s19 =	ssub.s32 s0, s2  }
0xef: {  	s0 =	sshll.u32 s19, $0x7  }
0xf0: {  	[tilespmem:s0+$0x108] =	vst v1  }
0xf1: {  	v1 =	vld [tilespmem:s22+$0xFFFFFFD0];
	_ =	sdelay $0x4  }
0xf2: {  	[tilespmem:s0+$0x118] =	vst v1  }
0xf3: {  	v1 =	vld [tilespmem:s22+$0xFFFFFFE0];
	_ =	sdelay $0x4  }
0xf4: {  	[tilespmem:s0+$0x128] =	vst v1  }
0xf5: {  	v1 =	vld [tilespmem:s22+$0xFFFFFFF0];
	_ =	sdelay $0x4  }
0xf6: {  	[tilespmem:s0+$0x138] =	vst v1  }
0xf7: {  	v1 =	vld [tilespmem:s22+$0x0];
	_ =	sdelay $0x4  }
0xf8: {  	[tilespmem:s0+$0x148] =	vst v1  }
0xf9: {  	v1 =	vld [tilespmem:s22+$0x10];
	_ =	sdelay $0x4  }
0xfa: {  	[tilespmem:s0+$0x158] =	vst v1  }
0xfb: {  	v1 =	vld [tilespmem:s22+$0x20];
	_ =	sdelay $0x4  }
0xfc: {  	[tilespmem:s0+$0x168] =	vst v1  }
0xfd: {  	v1 =	vld [tilespmem:s22+$0x30]  }
.Ltmp15:
0xfe: {  	_ = 	snop;
	(pc) =	sbr.rel .LBB2_17-.Ltmp15, $2  }
0xff: {  	_ =	sdelay $0x2  }
0x100: {  	s24 =	sadd.s32 $0x1, s24;
	[tilespmem:s0+$0x178] =	vst v1  }
.LBB2_19:
.Ltmp16:
0x101: {  	(pc) =	sbr.rel .LBB2_20-.Ltmp16, $4  }
0x102: {  	_ = 	snop  }
0x103: {  	s0 =	simm.s32 $0x2  }
0x104: {  	_ =	swait.ge [sflag:s0], $0x0  }
0x105: {  	s26 =	smov.u32 s25;
	[sflag:s0] =	ssyncset.done $0x0;
	s0 =	simm.s32 $0x0  }
.LBB2_22:
0x106: {  	_ =	sfence.sel $0x180000  }
0x107: {  	s0 =	simm.s32 $0x7;
	[bflag:$0x0] =	sbarrier.arrive $0xFFFF  }
0x108: {  	s25 =	simm.s32 $0x8;
	[sflag:s0] =	ssyncpa.u1 $0x1  }
0x109: {  	s26 =	simm.s32 $0x9;
	[sflag:s25] =	ssyncpa.u1 $0x1  }
0x10a: {  	s28 =	simm.s32 $0x2;
	[sflag:s26] =	ssyncpa.u1 $0x1  }
0x10b: {  	[sflag:s28] =	ssyncpa.u1 $0x1  }
0x10c: {  	v0 =	vld [tilespmem:$0xF208];
	_ =	sdelay $0x4  }
0x10d: {  	(v2sf) =	vpush v0, $0x0  }
0x10e: {  	(v2sf) =	vpush v0, $0x1;
	_ =	sdelay $0x1  }
0x10f: {  	(v2sf) =	vpush v0, $0x2;
	_ =	sdelay $0xb  }
0x110: {  	s0 =	spop (v2sf)  }
0x111: {  	s2 =	spop (v2sf)  }
0x112: {  	s3 =	smov.u32 s0;
	p0 =	sne.s32 s0, s2  }
0x113: {  	s4 =	spop (v2sf);
	s3 =	simm.s32 @!p0 $0xFFFFFFFF  }
0x114: {  	v2 =	vimm.s32 $0x1;
	v3 =	vlaneseq.u32;
	p0 =	seq.s32 s4, $0xFFFFFFFF;
	v1 =	vmov s3  }
0x115: {  	s7 =	stileid.u32;
	v0 =	vperm.xlane v0, v2;
	p1 =	sne.s32 @!p0 s0, s2;
	v1 =	vperm.xlane v1, v3  }
0x116: {  	vm0 =	vcmask $0x3F04;
	s6 =	simm.s32 $0xF208;
	s0 =	simm.s32 @!p0 $0x1;
	p1 =	por !p1, p0  }
0x117: {  	s3 =	sshll.u32 s7, $0x1;
	s2 =	sshll.u32 @!p0 s4, $0x9;
	s0 =	simm.s32 @p1 $0x0;
	v0 =	vsel vm0, v1, v0  }
0x118: {  	s5 =	sor.u32 $0x1000, s3;
	s2 =	sshra.s32 @!p0 s2, $0x2;
	s0 =	sor.u32 @!p0 s0, s3;
	[tilespmem:$0xF208] =	vst v0  }
0x119: {  	[spmem:s5] =	stream.linear.scatter [tilespmem:s6], [sflag:$0x1], $0x2, $0x38;
	[tilespmem:$0x1F6E8] =	vst v63  }
0x11a: {  	s2 =	sadd.s32 @!p0 $0x108, s2;
	s0 =	sshll.u32 @!p0 s0, $0x7  }
0x11b: {  	[spmem:s0] =	stream.linear.scatter @!p0 [tilespmem:s2], [sflag:$0x1], $0x80, $0x38;
	[tilespmem:$0x1F6E8] =	vst v63  }
0x11c: {  	s0 =	simm.s32 @!p0 $0x82  }
0x11d: {  	s3 =	simm.s32 $0x1;
	s0 =	simm.s32 @p0 $0x2  }
0x11e: {  	_ =	swait.ge [sflag:s3], s0  }
0x11f: {  	s0 =	ssub.s32 $0x0, s0;
	[sflag:s3] =	ssyncset.done $0x0  }
0x120: {  	[sflag:s3] =	ssyncadd.s32 s0  }
0x121: {  	_ =	sfence.stream.spmem  }
0x122: {  	s29 =	simm.s32 $0x3;
	[bflag:$0x0] =	sbarrier.arrive $0xFFFF  }
0x123: {  	s30 =	simm.s32 $0x4;
	[sflag:s29] =	ssyncpa.u1 $0x1  }
0x124: {  	s31 =	simm.s32 $0x3C;
	[sflag:s30] =	ssyncpa.u1 $0x1  }
0x125: {  	p0 =	sne.s32 s7, $0x0;
	[sflag:s31] =	ssyncpa.u1 $0x1  }
0x126: {  	_ =	sfence @p0  }
0x127: {  	[sflag:s3] =	ssyncpa.u1 @p0 $0x1  }
0x128: {  	_ =	strace @p0 $0x90000053  }
0x129: {  	[bflag:$0x2] =	sbarrier.arrive @p0 $0xFFFF  }
0x12a: {  	_ =	shalt @p0  }
.LBB2_23:
0x12b: {  	_ =	sfence.stream.spmem;
	s0 =	simm.s32 $0x5  }
0x12c: {  	s2 =	simm.s32 $0x1000;
	s3 =	simm.s32 $0xF218;
	[sflag:s0] =	ssyncpa.u1 $0x0  }
0x12d: {  	[tilespmem:s3], [sflag:$0x5] =	stream.linear.gather [spmem:s2], $0x20, $0x38;
	[tilespmem:$0x1F6E8] =	vst v63  }
0x12e: {  	s30 =	simm.s32 $0xF238;
	s2 =	simm.s32 $0x0  }
0x12f: {  	[tilespmem:s30], [sflag:$0x5] =	stream.linear.gather [spmem:s2], $0x1000, $0x38;
	[tilespmem:$0x1F6E8] =	vst v63  }
.Ltmp17:
0x130: {  	_ = 	snop;
	(pc) =	sbr.rel .LBB2_24-.Ltmp17, $4  }
0x131: {  	_ =	swait.ge [sflag:s0], $0x1020  }
0x132: {  	[sflag:s0] =	ssyncset.done $0x0  }
0x133: {  	s31 =	simm.s32 $0x6;
	[sflag:s0] =	ssyncadd.s32 $0xFFFFEFE0  }
0x134: {  	s3 =	simm.s32 $0x0;
	[sflag:s31] =	ssyncpa.u1 $0x0  }
.LBB2_30:
0x135: {  	p0 =	slt.u32 s4, $0x270F1  }
0x136: {  	s0 =	sand.u32 @p0 $0x3FFF8, s4  }
0x137: {  	s4 =	sand.u32 @p0 $0x7, s4;
	s5 =	simm.s32 @p0 $0xF188;
	s0 =	sadd.s32 @p0 s1, s0  }
0x138: {  	[tilespmem:s5], [sflag:$0x6] =	stream.linear.gather @p0 [hbm4b:s0+s4], $0x80, $0x38;
	[tilespmem:$0x1F6E8] =	vst v63  }
0x139: {  	s0 =	simm.s32 @p0 $0x6  }
0x13a: {  	_ =	swait.ge @p0 [sflag:s0], $0x80  }
0x13b: {  	[sflag:s0] =	ssyncset.done @p0 $0x0  }
0x13c: {  	[sflag:s0] =	ssyncadd.s32 @p0 $0xFFFFFF80  }
0x13d: {  	v1 =	vld @p0 [tilespmem:$0xF188];
	_ =	sdelay $0x2  }
0x13e: {  	s0 =	sshll.u32 @p0 s3, $0x9  }
0x13f: {  	s4 =	sshrl.u32 @p0 s0, $0x2  }
0x140: {  	[tilespmem:s4+$0xF238] =	vst.add.f32.msk @p0 $0xffff, v1  }
0x141: {  	v1 =	vld @p0 [tilespmem:$0xF198];
	_ =	sdelay $0x4  }
0x142: {  	[tilespmem:s4+$0xF248] =	vst.add.f32.msk @p0 $0xffff, v1  }
0x143: {  	v1 =	vld @p0 [tilespmem:$0xF1A8];
	_ =	sdelay $0x4  }
0x144: {  	[tilespmem:s4+$0xF258] =	vst.add.f32.msk @p0 $0xffff, v1  }
0x145: {  	v1 =	vld @p0 [tilespmem:$0xF1B8];
	_ =	sdelay $0x4  }
0x146: {  	[tilespmem:s4+$0xF268] =	vst.add.f32.msk @p0 $0xffff, v1  }
0x147: {  	v1 =	vld @p0 [tilespmem:$0xF1C8];
	_ =	sdelay $0x4  }
0x148: {  	[tilespmem:s4+$0xF278] =	vst.add.f32.msk @p0 $0xffff, v1  }
0x149: {  	v1 =	vld @p0 [tilespmem:$0xF1D8];
	_ =	sdelay $0x4  }
0x14a: {  	[tilespmem:s4+$0xF288] =	vst.add.f32.msk @p0 $0xffff, v1  }
0x14b: {  	v1 =	vld @p0 [tilespmem:$0xF1E8];
	_ =	sdelay $0x4  }
0x14c: {  	[tilespmem:s4+$0xF298] =	vst.add.f32.msk @p0 $0xffff, v1  }
0x14d: {  	v1 =	vld @p0 [tilespmem:$0xF1F8];
	_ =	sdelay $0x3  }
0x14e: {  	s5 =	sshll.u32 @!p0 s3, $0x9  }
0x14f: {  	s5 =	smov.u32 @p0 s0;
	[tilespmem:s4+$0xF2A8] =	vst.add.f32.msk @p0 $0xffff, v1  }
0x150: {  	s0 =	sshrl.u32 s5, $0x2;
	[tilespmem:s2+$0xF218] =	vst.msk $0x1, v0  }
0x151: {  	v0 =	vld [tilespmem:s0+$0xF238];
	_ =	sdelay $0x2  }
0x152: {  	s31 =	sshll.u32 s2, $0x9  }
0x153: {  	s4 =	sshra.s32 s31, $0x2  }
0x154: {  	[tilespmem:s4+$0xF238] =	vst v0  }
0x155: {  	v0 =	vld [tilespmem:s0+$0xF248];
	_ =	sdelay $0x4  }
0x156: {  	[tilespmem:s4+$0xF248] =	vst v0  }
0x157: {  	v0 =	vld [tilespmem:s0+$0xF258];
	_ =	sdelay $0x4  }
0x158: {  	[tilespmem:s4+$0xF258] =	vst v0  }
0x159: {  	v0 =	vld [tilespmem:s0+$0xF268];
	_ =	sdelay $0x4  }
0x15a: {  	[tilespmem:s4+$0xF268] =	vst v0  }
0x15b: {  	v0 =	vld [tilespmem:s0+$0xF278];
	_ =	sdelay $0x4  }
0x15c: {  	[tilespmem:s4+$0xF278] =	vst v0  }
0x15d: {  	v0 =	vld [tilespmem:s0+$0xF288];
	_ =	sdelay $0x4  }
0x15e: {  	[tilespmem:s4+$0xF288] =	vst v0  }
0x15f: {  	v0 =	vld [tilespmem:s0+$0xF298];
	_ =	sdelay $0x4  }
0x160: {  	[tilespmem:s4+$0xF298] =	vst v0  }
0x161: {  	v0 =	vld [tilespmem:s0+$0xF2A8];
	_ =	sdelay $0x4  }
0x162: {  	s2 =	sadd.s32 $0x1, s2;
	[tilespmem:s4+$0xF2A8] =	vst v0  }
.LBB2_31:
0x163: {  	s3 =	sadd.s32 $0x1, s3  }
0x164: {  	p0 =	sne.s32 s3, $0x20  }
.Ltmp18:
0x165: {  	_ = 	snop;
	(pc) =	sbr.rel @!p0 .LBB2_32-.Ltmp18, $1  }
0x166: {  	_ =	sdelay $0x3  }
.LBB2_24:
0x167: {  	v0 =	vld.msk [tilespmem:s3+$0xF218], $0x1;
	_ =	sdelay $0x4  }
0x168: {  	(v2sf) =	vpush v0, $0x0;
	_ =	sdelay $0xe  }
0x169: {  	s4 =	spop (v2sf)  }
0x16a: {  	p0 =	seq.s32 s4, $0xFFFFFFFF  }
.Ltmp19:
0x16b: {  	_ = 	snop;
	(pc) =	sbr.rel @p0 .LBB2_31-.Ltmp19, $1  }
0x16c: {  	_ =	sdelay $0x3  }
0x16d: {  	p0 =	slt.s32 s2, $0x1  }
.Ltmp20:
0x16e: {  	_ = 	snop;
	(pc) =	sbr.rel @p0 .LBB2_30-.Ltmp20, $1  }
0x16f: {  	_ =	sdelay $0x3  }
0x170: {  	s5 =	simm.s32 $0xF218;
	p0 =	por $0x0, $0x0  }
0x171: {  	v1 =	vld.msk @!p0 [tilespmem:s5+$0x0], $0x1;
	_ =	sdelay $0x4  }
0x172: {  	(v2sf) =	vpush @!p0 v1, $0x0;
	_ =	sdelay $0xd  }
0x173: {  	p2 =	sne.s32 s2, $0x1  }
.Ltmp21:
0x174: {  	s0 =	spop @!p0 (v2sf);
	(pc) =	sbr.rel @!p2 .LBB2_28-.Ltmp21, $4  }
0x175: {  	p1 =	seq.s32 @!p0 s4, s0  }
0x176: {  	s6 =	simm.s32 $0x0;
	p1 =	por !p1, p0  }
0x177: {  	s0 =	simm.s32 $0xFFFFFFFF;
	s6 =	simm.s32 @p1 $0xFFFFFFFF  }
0x178: {  	s7 =	simm.s32 $0x1;
	s6 =	smov.u32 @p0 s0  }
.LBB2_27:
0x179: {  	s0 =	smov.u32 s6;
	p0 =	sne.s32 s6, $0xFFFFFFFF  }
0x17a: {  	s5 =	sadd.s32 $0x1, s5;
	s6 =	smov.u32 s7;
	s7 =	sadd.s32 $0x1, s7  }
0x17b: {  	p1 =	sne.s32 s2, s7;
	v1 =	vld.msk @!p0 [tilespmem:s5+$0x0], $0x1;
	_ =	sdelay $0x4  }
0x17c: {  	(v2sf) =	vpush @!p0 v1, $0x0;
	_ =	sdelay $0xe  }
.Ltmp22:
0x17d: {  	s8 =	spop @!p0 (v2sf);
	(pc) =	sbr.rel @p1 .LBB2_27-.Ltmp22, $4  }
0x17e: {  	p2 =	seq.s32 @!p0 s4, s8  }
0x17f: {  	p2 =	por !p2, p0  }
0x180: {  	s6 =	simm.s32 @p2 $0xFFFFFFFF  }
0x181: {  	s6 =	smov.u32 @p0 s0  }
.LBB2_28:
0x182: {  	p0 =	seq.s32 s6, $0xFFFFFFFF  }
.Ltmp23:
0x183: {  	_ = 	snop;
	(pc) =	sbr.rel @p0 .LBB2_30-.Ltmp23, $1  }
0x184: {  	_ =	sdelay $0x3  }
0x185: {  	s0 =	sshll.u32 s3, $0x7  }
0x186: {  	s0 =	sand.u32 $0x3FFFFF80, s0  }
0x187: {  	v0 =	vld [tilespmem:s0+$0xF238];
	_ =	sdelay $0x2  }
0x188: {  	s4 =	sshll.u32 s6, $0x9  }
0x189: {  	s4 =	sshra.s32 s4, $0x2  }
0x18a: {  	[tilespmem:s4+$0xF238] =	vst.add.f32.msk $0xffff, v0  }
0x18b: {  	v0 =	vld [tilespmem:s0+$0xF248];
	_ =	sdelay $0x4  }
0x18c: {  	[tilespmem:s4+$0xF248] =	vst.add.f32.msk $0xffff, v0  }
0x18d: {  	v0 =	vld [tilespmem:s0+$0xF258];
	_ =	sdelay $0x4  }
0x18e: {  	[tilespmem:s4+$0xF258] =	vst.add.f32.msk $0xffff, v0  }
0x18f: {  	v0 =	vld [tilespmem:s0+$0xF268];
	_ =	sdelay $0x4  }
0x190: {  	[tilespmem:s4+$0xF268] =	vst.add.f32.msk $0xffff, v0  }
0x191: {  	v0 =	vld [tilespmem:s0+$0xF278];
	_ =	sdelay $0x4  }
0x192: {  	[tilespmem:s4+$0xF278] =	vst.add.f32.msk $0xffff, v0  }
0x193: {  	v0 =	vld [tilespmem:s0+$0xF288];
	_ =	sdelay $0x4  }
0x194: {  	[tilespmem:s4+$0xF288] =	vst.add.f32.msk $0xffff, v0  }
0x195: {  	v0 =	vld [tilespmem:s0+$0xF298];
	_ =	sdelay $0x4  }
0x196: {  	[tilespmem:s4+$0xF298] =	vst.add.f32.msk $0xffff, v0  }
0x197: {  	v0 =	vld [tilespmem:s0+$0xF2A8]  }
.Ltmp24:
0x198: {  	_ = 	snop;
	(pc) =	sbr.rel .LBB2_31-.Ltmp24, $2  }
0x199: {  	_ =	sdelay $0x2  }
0x19a: {  	[tilespmem:s4+$0xF2A8] =	vst.add.f32.msk $0xffff, v0  }
.LBB2_32:
0x19b: {  	p0 =	slt.s32 s2, $0x1  }
.Ltmp25:
0x19c: {  	_ = 	snop;
	(pc) =	sbr.rel @p0 .LBB2_36-.Ltmp25, $3  }
0x19d: {  	_ =	sdelay $0x1  }
0x19e: {  	s0 =	simm.s32 $0x6  }
0x19f: {  	s3 =	simm.s32 $0x0;
	[sflag:s0] =	ssyncpa.u1 $0x1  }
0x1a0: {  	s0 =	simm.s32 $0xF218  }
0x1a1: {  	v0 =	vld.msk [tilespmem:s0+$0x0], $0x1;
	_ =	sdelay $0x4  }
0x1a2: {  	(v2sf) =	vpush v0, $0x0;
	_ =	sdelay $0xd  }
0x1a3: {  	s2 =	sadd.s32 $0xFFFFFFFF, s2  }
0x1a4: {  	p1 =	sne.s32 s2, $0x0;
	s0 =	spop (v2sf)  }
.Ltmp26:
0x1a5: {  	p0 =	sgt.u32 s0, $0x270F0;
	(pc) =	sbr.rel @!p1 .LBB2_35-.Ltmp26, $4  }
0x1a6: {  	s4 =	simm.s32 $0xF238;
	s5 =	sand.u32 @!p0 $0x3FFF8, s0  }
0x1a7: {  	s6 =	simm.s32 $0x0;
	s0 =	sand.u32 @!p0 $0x7, s0;
	s5 =	sadd.s32 @!p0 s1, s5  }
0x1a8: {  	[hbm4b:s5+s0] =	stream.linear.scatter @!p0 [tilespmem:s4], [sflag:$0x5], $0x80, $0x38;
	[tilespmem:$0x1F6E8] =	vst v63  }
0x1a9: {  	s6 =	simm.s32 @!p0 $0x200;
	s5 =	simm.s32 $0xF219  }
.LBB2_34:
0x1aa: {  	v0 =	vld.msk [tilespmem:s5+$0x0], $0x1;
	s2 =	sadd.s32 $0xFFFFFFFF, s2;
	s3 =	sadd.s32 s3, s6  }
0x1ab: {  	p0 =	sne.s32 s2, $0x0;
	_ =	sdelay $0x3  }
0x1ac: {  	(v2sf) =	vpush v0, $0x0;
	_ =	sdelay $0xe  }
.Ltmp27:
0x1ad: {  	s0 =	spop (v2sf);
	(pc) =	sbr.rel @p0 .LBB2_34-.Ltmp27, $4  }
0x1ae: {  	s6 =	simm.s32 $0x0;
	p1 =	sgt.u32 s0, $0x270F0  }
0x1af: {  	s4 =	sadd.s32 $0x80, s4;
	s6 =	simm.s32 @!p1 $0x200;
	s7 =	sand.u32 @!p1 $0x3FFF8, s0  }
0x1b0: {  	s5 =	sadd.s32 $0x1, s5;
	s0 =	sand.u32 @!p1 $0x7, s0;
	s7 =	sadd.s32 @!p1 s1, s7  }
0x1b1: {  	[hbm4b:s7+s0] =	stream.linear.scatter @!p1 [tilespmem:s4], [sflag:$0x5], $0x80, $0x38;
	[tilespmem:$0x1F6E8] =	vst v63  }
.LBB2_35:
0x1b2: {  	s0 =	sadd.s32 s3, s6  }
0x1b3: {  	s3 =	sshrl.u32 s0, $0x2  }
.LBB2_36:
0x1b4: {  	s0 =	simm.s32 $0x5  }
0x1b5: {  	_ =	swait.ge [sflag:s0], s3  }
0x1b6: {  	s1 =	ssub.s32 $0x0, s3;
	[sflag:s0] =	ssyncset.done $0x0  }
0x1b7: {  	[sflag:s0] =	ssyncadd.s32 s1  }
0x1b8: {  	[sflag:s0] =	ssyncpa.u1 $0x1  }
0x1b9: {  	s30 =	simm.s32 $0x1;
	_ =	sfence  }
0x1ba: {  	[sflag:s30] =	ssyncpa.u1 $0x1  }
0x1bb: {  	_ =	strace $0x90000053  }
0x1bc: {  	[bflag:$0x2] =	sbarrier.arrive $0xFFFF  }
0x1bd: {  	s31 =	rddreg [dreg:$0x2]  }
0x1be: {  	s0 =	sadd.s32 $0x100000, s31  }
0x1bf: {  	[sflag:s0] =	ssyncadd.tile.s32 $0x1;
	_ =	shalt  }
.Lfunc_end2:
_tile_overlayer_lowered:
.L_overlay_start_2:
0x1c0: {  	(tag) =	ssettag $0x2  }
0x1c1: {  	s0 =	rddreg [dreg:$0x0];
	s2 =	stileid.u32  }
0x1c2: {  	s1 =	rddreg [dreg:$0x1];
	p0 =	sne.s32 s2, $0x0  }
0x1c3: {  	s3 =	rddreg [dreg:$0x2];
	[bflag:$0x3] =	sbarrier.arrive $0xFFFF;
	s2 =	simm.s32 @!p0 $0x1C01  }
0x1c4: {  	[timem:s3], [sflag:s2] =	dma.local @!p0 [hbm:s0], s1  }
0x1c5: {  	s0 =	simm.s32 @!p0 $0x1  }
0x1c6: {  	_ =	swait.ge @!p0 [sflag:s0], s1  }
0x1c7: {  	s1 =	ssub.s32 @!p0 $0x0, s1;
	[sflag:s0] =	ssyncset.done @!p0 $0x0  }
0x1c8: {  	[sflag:s0] =	ssyncadd.s32 @!p0 s1  }
0x1c9: {  	[bflag:$0x3] =	sbarrier.arrive $0xFFFF  }
0x1ca: {  	_ =	shalt  }

// kernel: scatter_offload_async_start
scs
__scs_entry_jumppad:
0x0: {  	(pc) =	sbr.rel $0x88, $3  }
0x1: {  	(tag) =	ssettag $0x0;
	lr =	simm.s32 $0x1  }
0x2: {  	[smem:$0x3F8E] =	sst lr;
	_ =	strace $0xD0000000  }
0x3: {  	_ = 	snop  }
0x4: {  	_ = 	snop  }
0x5: {  	_ = 	snop  }
0x6: {  	_ = 	snop  }
0x7: {  	_ = 	snop  }
__scs_overlays_trampoline_lowered:
0x8: {  	[smem:$0x3F9D] =	sst s0  }
0x9: {  	[smem:$0x3F9E] =	sst s1  }
0xa: {  	[smem:$0x3F9F] =	sst s2  }
0xb: {  	[smem:$0x3FA0] =	sst s3  }
0xc: {  	[smem:$0x3FA1] =	sst s4  }
0xd: {  	[smem:$0x3FA2] =	sst s5  }
0xe: {  	[smem:$0x3FA3] =	sst s6  }
0xf: {  	[smem:$0x3FA4] =	sst s7  }
0x10: {  	[smem:$0x3FA5] =	sst s8  }
0x11: {  	[smem:$0x3FA6] =	sst s9;
	s0 =	simm.s32 @!p0 $0x0  }
0x12: {  	s1 =	sld [smem:$0x3F8C];
	s0 =	simm.s32 @p0 $0x1  }
0x13: {  	[smem:$0x3FA7] =	sst s0;
	s0 =	simm.s32 @!p1 $0x0  }
0x14: {  	s2 =	sld [smem:$0x3F8B];
	s0 =	simm.s32 @p1 $0x1  }
0x15: {  	[smem:$0x3FA8] =	sst s0;
	s0 =	simm.s32 @!p2 $0x0  }
0x16: {  	s3 =	sld [smem:$0x3FDB];
	s0 =	simm.s32 @p2 $0x1  }
0x17: {  	s4 =	simm.s32 $0x1BF5;
	[smem:$0x3FAA] =	sst s0  }
0x18: {  	s0 =	sld [smem:$0x3F8D];
	_ =	swait.ge [sflag:s4], $0x0  }
0x19: {  	s7 =	sld [smem:$0x3F8E]  }
0x1a: {  	s8 =	sadd.s32 $0xFFFFE003, lr  }
0x1b: {  	s9 =	sadd.s32 $0xFFFFFEF7, lr;
	s5 =	simm.s32 $0xFFFFFFFF;
	p2 =	slt.u32 s8, $0xFFFFF086  }
0x1c: {  	p1 =	slt.u32 s9, $0xF7A;
	s5 =	simm.s32 @!p2 $0x0  }
0x1d: {  	s5 =	simm.s32 @p1 $0x1;
	p0 =	seq.s32 s7, s2  }
0x1e: {  	s7 =	smul.u32 @!p0 $0xF7A, s2;
	p2 =	seq.s32 @!p0 s5, $0x0  }
0x1f: {  	s9 =	smul.u32 $0xF7A, s1;
	s8 =	simm.s32 @!p0 $0x1BF5;
	p2 =	por !p2, p0  }
0x20: {  	[sflag:s8] =	ssyncset.s32 @!p0 $0xFFFFF086;
	s6 =	sadd.s32 @!p0 s3, s7;
	s7 =	simm.s32 @!p0 $0x108  }
0x21: {  	s3 =	sadd.s32 s3, s9;
	s6 =	sadd.s32 @!p0 $0x88, s6;
	s7 =	simm.s32 @p2 $0x1082  }
0x22: {  	[simem:s7], [sflag:s8] =	dma.local @!p0 [hbm:s6], $0xF7A  }
0x23: {  	s9 =	sor.u32 $0xD0000000, s2;
	s6 =	simm.s32 $0x108;
	_ =	swait.ge @!p0 [sflag:s8], $0x0  }
0x24: {  	s3 =	sadd.s32 $0x88, s3;
	s6 =	simm.s32 @!p1 $0x1082;
	[sflag:s4] =	ssyncset.s32 $0xFFFFF086  }
0x25: {  	[simem:s6], [sflag:s4] =	dma.local [hbm:s3], $0xF7A  }
0x26: {  	[smem:$0x3F8E] =	sst s1;
	(tag) =	ssettag s2;
	_ =	strace s9  }
0x27: {  	s1 =	sld [smem:$0x3F9E]  }
0x28: {  	s2 =	sld [smem:$0x3F9F]  }
0x29: {  	s4 =	sld [smem:$0x3FA1]  }
0x2a: {  	p0 =	seq.s32 s5, $0x0;
	s5 =	sld [smem:$0x3FA2]  }
0x2b: {  	s6 =	sld [smem:$0x3FA3]  }
0x2c: {  	s7 =	sld [smem:$0x3FA4]  }
0x2d: {  	s3 =	simm.s32 $0x108;
	s8 =	sld [smem:$0x3FA5]  }
0x2e: {  	s3 =	simm.s32 @!p0 $0x1082;
	s9 =	sld [smem:$0x3FA6]  }
0x2f: {  	lr =	sadd.s32 s0, s3;
	s0 =	sld [smem:$0x3F9D]  }
0x30: {  	s3 =	sld [smem:$0x3FA0]  }
0x31: {  	[smem:$0x3FA9] =	sst s10  }
0x32: {  	s10 =	sld [smem:$0x3FA7];
	_ =	sdelay $0x3  }
0x33: {  	p0 =	seq.s32 s10, $0x1;
	s10 =	sld [smem:$0x3FA9];
	_ =	sdelay $0x3  }
0x34: {  	[smem:$0x3FA9] =	sst s10  }
0x35: {  	s10 =	sld [smem:$0x3FA8];
	_ =	sdelay $0x3  }
0x36: {  	p1 =	seq.s32 s10, $0x1;
	s10 =	sld [smem:$0x3FA9];
	_ =	sdelay $0x3  }
0x37: {  	[smem:$0x3FA9] =	sst s10  }
0x38: {  	s10 =	sld [smem:$0x3FAA]  }
0x39: {  	_ = 	snop;
	(pc) =	sbr.ind lr, $3  }
0x3a: {  	_ = 	snop  }
0x3b: {  	_ = 	snop  }
0x3c: {  	p2 =	seq.s32 s10, $0x1;
	s10 =	sld [smem:$0x3FA9]  }
0x3d: {  	_ =	shalt  }
0x3e: {  	_ =	shalt  }
0x3f: {  	_ =	shalt  }
0x40: {  	_ =	shalt  }
0x41: {  	_ =	shalt  }
0x42: {  	_ =	shalt  }
0x43: {  	_ =	shalt  }
0x44: {  	_ =	shalt  }
0x45: {  	_ =	shalt  }
0x46: {  	_ =	shalt  }
0x47: {  	_ =	shalt  }
0x48: {  	_ =	shalt  }
0x49: {  	_ =	shalt  }
0x4a: {  	_ =	shalt  }
0x4b: {  	_ =	shalt  }
0x4c: {  	_ =	shalt  }
0x4d: {  	_ =	shalt  }
0x4e: {  	_ =	shalt  }
0x4f: {  	_ =	shalt  }
0x50: {  	_ =	shalt  }
0x51: {  	_ =	shalt  }
0x52: {  	_ =	shalt  }
0x53: {  	_ =	shalt  }
0x54: {  	_ =	shalt  }
0x55: {  	_ =	shalt  }
0x56: {  	_ =	shalt  }
0x57: {  	_ =	shalt  }
0x58: {  	_ =	shalt  }
0x59: {  	_ =	shalt  }
0x5a: {  	_ =	shalt  }
0x5b: {  	_ =	shalt  }
0x5c: {  	_ =	shalt  }
0x5d: {  	_ =	shalt  }
0x5e: {  	_ =	shalt  }
0x5f: {  	_ =	shalt  }
0x60: {  	_ =	shalt  }
0x61: {  	_ =	shalt  }
0x62: {  	_ =	shalt  }
0x63: {  	_ =	shalt  }
0x64: {  	_ =	shalt  }
0x65: {  	_ =	shalt  }
0x66: {  	_ =	shalt  }
0x67: {  	_ =	shalt  }
0x68: {  	_ =	shalt  }
0x69: {  	_ =	shalt  }
0x6a: {  	_ =	shalt  }
0x6b: {  	_ =	shalt  }
0x6c: {  	_ =	shalt  }
0x6d: {  	_ =	shalt  }
0x6e: {  	_ =	shalt  }
0x6f: {  	_ =	shalt  }
0x70: {  	_ =	shalt  }
0x71: {  	_ =	shalt  }
0x72: {  	_ =	shalt  }
0x73: {  	_ =	shalt  }
0x74: {  	_ =	shalt  }
0x75: {  	_ =	shalt  }
0x76: {  	_ =	shalt  }
0x77: {  	_ =	shalt  }
0x78: {  	_ =	shalt  }
0x79: {  	_ =	shalt  }
0x7a: {  	_ =	shalt  }
0x7b: {  	_ =	shalt  }
0x7c: {  	_ =	shalt  }
0x7d: {  	_ =	shalt  }
0x7e: {  	_ =	shalt  }
0x7f: {  	_ =	shalt  }
0x80: {  	_ =	shalt  }
0x81: {  	_ =	shalt  }
0x82: {  	_ =	shalt  }
0x83: {  	_ =	shalt  }
0x84: {  	_ =	shalt  }
0x85: {  	_ =	shalt  }
0x86: {  	_ =	shalt  }
0x87: {  	_ =	shalt  }
.Lfunc_end0:
.L_simem_size_0:
called_computation_lowered:
.L_overlay_start_0:
0x88: {  	s0 =	sld [smem:$0x3FD9]  }
0x89: {  	s1 =	sld [smem:$0x3FFE];
	_ =	sdelay $0x3  }
0x8a: {  	s0 =	sadd.s32 s1, s0  }
0x8b: {  	[smem:$0x3FB5] =	sst s0  }
0x8c: {  	_ = 	snop  }
0x8d: {  	s0 =	sld [smem:$0x3FD0];
	(tm) =	ssettm $0x1  }
0x8e: {  	s16 =	sld [smem:$0x3FFB];
	_ =	sdelay $0x3  }
0x8f: {  	_ =	strace s16  }
0x90: {  	s1 =	sld [smem:$0x3FFC];
	_ =	sdelay $0x3  }
0x91: {  	_ =	strace s1  }
0x92: {  	s1 =	sld [smem:$0x3FFD];
	_ =	sdelay $0x3  }
0x93: {  	_ =	strace s1  }
0x94: {  	_ =	strace $0x8FFFFFFF  }
0x95: {  	s17 =	sld [smem:$0x3FDB];
	_ =	sdelay $0x1  }
0x96: {  	s2 =	simm.s32 $_scs_section_size  }
0x97: {  	s3 =	simm.s32 $_size__tile_overlayer_lowered;
	s4 =	simm.s32 $_tile_overlayer_lowered  }
0x98: {  	s20 =	simm.s32 $0x1BFF;
	s19 =	sshll.u32 s4, $0x1;
	s1 =	sadd.s32 s2, s17  }
0x99: {  	s5 =	simm.s32 $0x0;
	s18 =	sshll.u32 s3, $0x1;
	s3 =	sadd.s32 s19, s1  }
0x9a: {  	[timem:s5], [sflag:s20] =	dma.local [hbm:s3], s18  }
0x9b: {  	_ =	swait.ge [sflag:s20], s18  }
0x9c: {  	s2 =	ssub.s32 $0x0, s18;
	[sflag:s20] =	ssyncset.done $0x0  }
0x9d: {  	[sflag:s20] =	ssyncadd.s32 s2;
	_ =	sdelay $0x1  }
0x9e: {  	s21 =	simm.s32 $0x1B8B  }
0x9f: {  	_ =	swait.ge [sflag:s21], $0x1  }
0xa0: {  	[sflag:s21] =	ssyncset.done $0x0  }
0xa1: {  	s23 =	simm.s32 $0x1B8E;
	s22 =	sld [smem:$0x3FFE];
	[sflag:s21] =	ssyncadd.s32 $0xFFFFFFFF  }
0xa2: {  	s24 =	simm.s32 $execute0_lowered;
	[smem:$0x3FD2] =	sst s23  }
0xa3: {  	s3 =	sshll.u32 s24, $0x1;
	_ =	strace $0x80000049;
	[dreg:$0x1] =	wrdreg $0xFFFFFFFF  }
0xa4: {  	s25 =	simm.s32 $_size_execute0_lowered;
	s1 =	sadd.s32 s1, s3;
	[dreg:$0x0] =	wrdreg $0x0  }
0xa5: {  	s3 =	sshll.u32 s25, $0x1;
	[dreg:$0x2] =	wrdreg s1  }
0xa6: {  	[dreg:$0x3] =	wrdreg s3  }
0xa7: {  	[dreg:$0x4] =	wrdreg $0xC0  }
0xa8: {  	_ =	task [dreg:s5], $0x5FFFF  }
0xa9: {  	[dreg:$0x1] =	wrdreg $0xFFFFFFFF  }
0xaa: {  	[dreg:$0x0] =	wrdreg $0x60  }
0xab: {  	[dreg:$0x2] =	wrdreg s0  }
0xac: {  	[dreg:$0x3] =	wrdreg s22  }
0xad: {  	[dreg:$0x4] =	wrdreg $0x9  }
0xae: {  	_ =	task.clear_ibuf [dreg:s5], $0x5FFFF;
	_ =	strace $0x90000049  }
0xaf: {  	s26 =	simm.s32 $0x9;
	_ =	strace $0x8000004B  }
0xb0: {  	_ =	swait.ge [sflag:s26], $0x1  }
0xb1: {  	[sflag:s26] =	ssyncadd.s32 $0xFFFFFFFF  }
0xb2: {  	_ =	strace $0x9000004B  }
0xb3: {  	_ =	sfence  }
0xb4: {  	s28 =	sld [smem:$0x0];
	_ =	sdelay $0x1  }
0xb5: {  	s29 =	srdreg.scid  }
0xb6: {  	s30 =	sshll.u32 s29, $0xD;
	s31 =	sshrl.u32 s29, $0x2  }
0xb7: {  	s2 =	sand.u32 $0x4000, s30;
	s1 =	sand.u32 $0x1, s29;
	s0 =	sadd.s32 s31, s28  }
0xb8: {  	s1 =	sor.u32 s2, s1;
	s0 =	sshll.u32 s0, $0x11  }
0xb9: {  	s0 =	sor.u32 s0, s1  }
0xba: {  	s0 =	sadd.s32 $0x8F2B, s0  }
0xbb: {  	[sflag:s0] =	ssyncadd.remote.s32 $0x1  }
0xbc: {  	_ =	sfence.sel $0xFFFF  }
0xbd: {  	[dreg:$0x0] =	wrdreg $0xFFFFFFFF;
	(pc) =	sbr.abs _section_cstart, $3  }
0xbe: {  	[dreg:$0x1] =	wrdreg $0xFFFFFFFF  }
0xbf: {  	_ =	task.clear_ibuf [dreg:s5], $0x2FFFF;
	_ =	strace $0x9FFFFFFF  }
0xc0: {  	(tm) =	ssettm $0x7FFFFFFF  }
0xc1: {  	_ =	shalt  }
tec
execute0_lowered:
.L_overlay_start_1:
0x0: {  	(tag) =	ssettag $0x1  }
0x1: {  	s1 =	rddreg [dreg:$0x0]  }
0x2: {  	s0 =	rddreg [dreg:$0x1];
	_ =	strace $0x8000004A;
	s2 =	simm.s32 $0x1  }
0x3: {  	s8 =	simm.s32 $0x108;
	v0 =	vimm.s32 $0x0;
	[sflag:s2] =	ssyncpa.u1 $0x0  }
0x4: {  	[tilespmem:s8+$0x70] =	vst v0  }
0x5: {  	[tilespmem:s8+$0x60] =	vst v0  }
0x6: {  	[tilespmem:s8+$0x50] =	vst v0  }
0x7: {  	[tilespmem:s8+$0x40] =	vst v0  }
0x8: {  	[tilespmem:s8+$0x30] =	vst v0  }
0x9: {  	s3 =	sadd.s32 $0xD200, s0;
	[tilespmem:s8+$0x20] =	vst v0  }
0xa: {  	s4 =	sadd.s32 $0x1A200, s0;
	s5 =	sadd.s32 $0x13A00, s0;
	s2 =	simm.s32 $0x40;
	[tilespmem:s8+$0x10] =	vst v0  }
.LBB2_1:
0xb: {  	s2 =	sadd.s32 $0x40, s2;
	[tilespmem:s8+$0x0] =	vst v0;
	s8 =	sadd.s32 $0x80, s8  }
0xc: {  	p0 =	slt.u32 s2, $0x3C40;
	[tilespmem:s8+$0x70] =	vst v0  }
0xd: {  	[tilespmem:s8+$0x60] =	vst v0  }
.Ltmp0:
0xe: {  	[tilespmem:s8+$0x50] =	vst v0;
	(pc) =	sbr.rel @p0 .LBB2_1-.Ltmp0, $4  }
0xf: {  	[tilespmem:s8+$0x40] =	vst v0  }
0x10: {  	[tilespmem:s8+$0x30] =	vst v0  }
0x11: {  	[tilespmem:s8+$0x20] =	vst v0  }
0x12: {  	[tilespmem:s8+$0x10] =	vst v0  }
0x13: {  	s13 =	stileid.u32  }
0x14: {  	s0 =	smul.u32 $0x36, s13  }
0x15: {  	s2 =	smin.u32 s13, $0xB  }
0x16: {  	s0 =	sadd.s32 s2, s0  }
0x17: {  	p0 =	slt.u32 s13, $0xB;
	s6 =	smul.u32 $0xF0, s0;
	s0 =	simm.s32 $0x3390  }
0x18: {  	s0 =	simm.s32 @!p0 $0x32A0  }
0x19: {  	s0 =	sadd.s32 s0, s6  }
0x1a: {  	s7 =	smin.u32 s0, $0x33450  }
0x1b: {  	s0 =	ssub.s32 s7, s6  }
0x1c: {  	p0 =	sgt.s32 s0, $0x0  }
0x1d: {  	s0 =	simm.s32 @!p0 $0x0  }
0x1e: {  	s31 =	smulhi.u32 $0x88888889, s0  }
0x1f: {  	s30 =	simm.s32 $0x2;
	s9 =	simm.s32 $0x7;
	s10 =	simm.s32 $0x8  }
0x20: {  	s19 =	simm.s32 $0x0;
	s15 =	simm.s32 $0xA;
	s2 =	sshrl.u32 s31, $0x7  }
0x21: {  	s17 =	simm.s32 $0x0;
	s18 =	simm.s32 $0x0;
	s11 =	smul.u32 $0xF0, s2  }
.Ltmp1:
0x22: {  	[tilespmem:s8+$0x0] =	vst v0;
	v0 =	vimm.s32 $0xFFFFFFFF;
	[sflag:s30] =	ssyncpa.u1 $0x0;
	s13 =	sshll.u32 s13, $0x8;
	(pc) =	sbr.rel .LBB2_3-.Ltmp1, $4  }
0x23: {  	[tilespmem:$0xF208] =	vst v0;
	[sflag:s9] =	ssyncpa.u1 $0x0;
	p0 =	sne.s32 s0, s11;
	s0 =	simm.s32 $0x1  }
0x24: {  	[sflag:s10] =	ssyncpa.u1 $0x0;
	s10 =	simm.s32 $0x9;
	s0 =	simm.s32 @!p0 $0x0  }
0x25: {  	[sflag:s10] =	ssyncpa.u1 $0x0;
	s16 =	smov.u32 s6;
	s12 =	sadd.s32 s0, s2  }
0x26: {  	v0 =	vlaneseq.u32;
	s11 =	simm.s32 $0x1;
	p0 =	por $0x0, $0x0;
	s14 =	sadd.s32 $0x1, s12  }
.LBB2_18:
0x27: {  	s0 =	sshrl.u32 s28, $0x2  }
.LBB2_20:
0x28: {  	_ =	swait.ge [sflag:s15], s0  }
0x29: {  	s31 =	ssub.s32 $0x0, s0;
	v1 =	vmov s21;
	vm0 =	veq.s32 v0, $0x0;
	[sflag:s15] =	ssyncset.done $0x0  }
0x2a: {  	vm15 =	veq.s32 v0, $0x2;
	v1 =	vsel vm0, s26, v1;
	[sflag:s15] =	ssyncadd.s32 s31  }
0x2b: {  	v1 =	vsel vm15, s19, v1;
	[sflag:s15] =	ssyncpa.u1 $0x1  }
0x2c: {  	[tilespmem:$0xF208] =	vst v1  }
.LBB2_21:
0x2d: {  	s0 =	sadd.s32 $0xF0, s16  }
0x2e: {  	s2 =	smov.u32 s6;
	p1 =	slt.s32 s0, s7  }
0x2f: {  	s2 =	smov.u32 @p1 s0;
	p1 =	sne.s32 s18, s14  }
.Ltmp2:
0x30: {  	_ = 	snop;
	(pc) =	sbr.rel @!p1 .LBB2_22-.Ltmp2, $3  }
0x31: {  	_ =	sdelay $0x1  }
0x32: {  	s19 =	smov.u32 s17;
	s31 =	sadd.s32 $0x1, s18;
	s17 =	smov.u32 s16  }
0x33: {  	p0 =	por !p0, !p0;
	s18 =	smov.u32 s31;
	s16 =	smov.u32 s2  }
.LBB2_3:
0x34: {  	p1 =	sge.u32 s18, s12  }
0x35: {  	s0 =	smulhi.u32 @!p1 $0xAAAAAAAB, s18  }
0x36: {  	s2 =	smov.u32 s16;
	p2 =	sgt.s32 @!p1 s16, $0x33360  }
0x37: {  	s20 =	sshra.s32 @!p1 s16, $0x1F;
	p2 =	por !p2, p1;
	s0 =	sshrl.u32 @!p1 s0, $0x1  }
0x38: {  	s20 =	sand.u32 @!p1 s20, s16;
	s2 =	simm.s32 @p2 $0x33360;
	s0 =	smul.u32 @!p1 $0x3, s0  }
0x39: {  	s2 =	ssub.s32 @!p1 s2, s20  }
0x3a: {  	s2 =	sadd.s32 @!p1 $0xFFFCCCA0, s2;
	s0 =	ssub.s32 @!p1 s18, s0  }
0x3b: {  	s20 =	sshll.u32 @!p1 s2, $0x2;
	p2 =	sgt.s32 @!p1 s2, $0xEF;
	s0 =	smul.u32 @!p1 $0x3C0, s0  }
0x3c: {  	s21 =	sand.u32 @!p1 $0x7, s16;
	s2 =	ssub.s32 @!p1 $0x3C0, s20;
	p2 =	por !p2, p1  }
0x3d: {  	s20 =	sshrl.u32 @!p1 s16, $0x3;
	s2 =	sshrl.u32 @!p1 s2, $0x2;
	s0 =	sshrl.u32 @!p1 s0, $0x2  }
0x3e: {  	s20 =	sadd.s32 @!p1 s5, s20;
	s2 =	simm.s32 @!p2 $0x0;
	s0 =	sadd.s32 @!p1 $0x10238, s0  }
0x3f: {  	[tilespmem:s0], [sflag:$0x8] =	stream.linear.gather @!p1 [hbm4b:s20+s21], s2, $0x38;
	[tilespmem:$0x1F6E8] =	vst v63  }
0x40: {  	s0 =	sadd.s32 $0xFFFFFFFF, s18  }
0x41: {  	p1 =	sge.u32 s0, s12  }
0x42: {  	p2 =	sgt.s32 @!p1 s17, $0x33360  }
0x43: {  	s2 =	smov.u32 s17;
	s20 =	sshra.s32 @!p1 s17, $0x1F;
	p2 =	por !p2, p1  }
0x44: {  	s20 =	sand.u32 @!p1 s20, s17;
	s2 =	simm.s32 @p2 $0x33360  }
0x45: {  	s2 =	ssub.s32 @!p1 s2, s20  }
0x46: {  	s2 =	sadd.s32 @!p1 $0xFFFCCCA0, s2  }
0x47: {  	s21 =	smulhi.u32 @!p1 $0xAAAAAAAB, s0;
	s22 =	sand.u32 @!p1 $0x1, s0;
	s20 =	sshll.u32 @!p1 s2, $0x2  }
0x48: {  	s24 =	smul.u32 @!p1 $0x3C0, s22;
	p2 =	sgt.s32 @!p1 s2, $0xEF;
	s2 =	ssub.s32 @!p1 $0x3C0, s20  }
0x49: {  	p2 =	por !p2, p1;
	s20 =	sshrl.u32 @!p1 s21, $0x1;
	s2 =	sshrl.u32 @!p1 s2, $0x2  }
0x4a: {  	s21 =	simm.s32 @!p1 $0x8;
	s20 =	smul.u32 @!p1 $0x3, s20;
	s2 =	simm.s32 @!p2 $0x0  }
0x4b: {  	s22 =	smul.u32 @!p1 $0x1E000, s22;
	_ =	swait.ge @!p1 [sflag:s21], s2;
	s23 =	ssub.s32 @!p1 $0x0, s2  }
0x4c: {  	s0 =	ssub.s32 @!p1 s0, s20;
	s20 =	sshrl.u32 @!p1 s17, $0x3;
	[sflag:s21] =	ssyncset.done @!p1 $0x0  }
0x4d: {  	s20 =	sadd.s32 @!p1 s3, s20;
	[sflag:s21] =	ssyncadd.s32 @!p1 s23;
	s21 =	sshrl.u32 @!p1 s24, $0x2  }
0x4e: {  	s0 =	smul.u32 @!p1 $0x3C0, s0;
	s23 =	sand.u32 @!p1 $0x7, s17;
	s21 =	sor.u32 @!p1 $0x10508, s21  }
0x4f: {  	[tilespmem:s21], [sflag:$0x9] =	stream.linear.gather @!p1 [hbm4b:s20+s23], s2, $0x38;
	[tilespmem:$0x1F6E8] =	vst v63  }
0x50: {  	s0 =	sshrl.u32 @!p1 s0, $0x2;
	s2 =	sshrl.u32 @!p1 s22, $0x2  }
0x51: {  	s0 =	sadd.s32 @!p1 $0x10238, s0;
	s20 =	simm.s32 @!p1 $0xF0;
	s2 =	sor.u32 @!p1 $0x106E8, s2  }
0x52: {  	[tilespmem:s2], [sflag:$0x7] =	stream.indirect.gather @!p1 [hbm4b:s4+s20], $0x80, s0, s20, $0xb8;
	[tilespmem:$0x1F6E8] =	vst v63  }
0x53: {  	p1 =	slt.u32 s18, $0x2  }
.Ltmp3:
0x54: {  	_ = 	snop;
	(pc) =	sbr.rel @p1 .LBB2_21-.Ltmp3, $1  }
0x55: {  	_ =	sdelay $0x3  }
0x56: {  	p1 =	sgt.s32 s19, $0x33360;
	s0 =	smov.u32 s19;
	s2 =	sshra.s32 s19, $0x1F  }
0x57: {  	s0 =	simm.s32 @!p1 $0x33360;
	s2 =	sand.u32 s2, s19  }
0x58: {  	s0 =	ssub.s32 s0, s2  }
0x59: {  	s0 =	sadd.s32 $0xFFFCCCA0, s0  }
0x5a: {  	s30 =	sshll.u32 s0, $0x2  }
0x5b: {  	_ =	swait.ge [sflag:s9], $0x7800;
	s2 =	ssub.s32 $0x3C0, s30  }
0x5c: {  	[sflag:s9] =	ssyncset.done $0x0;
	p1 =	sgt.s32 s0, $0xEF;
	s0 =	sshrl.u32 s2, $0x2  }
0x5d: {  	[sflag:s9] =	ssyncadd.s32 $0xFFFF8800;
	s0 =	simm.s32 @p1 $0x0  }
0x5e: {  	_ =	swait.ge [sflag:s10], s0  }
0x5f: {  	s0 =	ssub.s32 $0x0, s0;
	[sflag:s10] =	ssyncset.done $0x0  }
0x60: {  	[sflag:s10] =	ssyncadd.s32 s0  }
0x61: {  	v1 =	vld [tilespmem:$0xF208];
	_ =	sdelay $0x4  }
0x62: {  	(v2sf) =	vpush v1, $0x0  }
0x63: {  	(v2sf) =	vpush v1, $0x1  }
0x64: {  	(v2sf) =	vpush v1, $0x2;
	_ =	sdelay $0x3  }
0x65: {  	s0 =	sadd.s32 $0xF0, s19  }
0x66: {  	s2 =	ssub.s32 $0x33450, s19;
	p1 =	slt.s32 s7, s0  }
0x67: {  	s0 =	smov.u32 @p1 s7;
	p1 =	sgt.s32 s2, $0x0  }
0x68: {  	s23 =	ssub.s32 s0, s19;
	s2 =	simm.s32 @!p1 $0x0  }
0x69: {  	p1 =	slt.s32 s2, s23  }
0x6a: {  	s23 =	smov.u32 @p1 s2  }
0x6b: {  	s22 =	simm.s32 $0x1;
	p1 =	slt.s32 s23, $0x1  }
.Ltmp4:
0x6c: {  	s22 =	simm.s32 @!p0 $0x0;
	(pc) =	sbr.rel @p1 .LBB2_8-.Ltmp4, $4  }
0x6d: {  	s31 =	smul.u32 $0x3C0, s22  }
0x6e: {  	s24 =	spop (v2sf)  }
0x6f: {  	s0 =	sshrl.u32 s31, $0x2;
	s26 =	spop (v2sf)  }
0x70: {  	s20 =	sor.u32 $0x10508, s0;
	s19 =	spop (v2sf)  }
0x71: {  	s0 =	smin.u32 s23, $0x10  }
0x72: {  	v1 =	vmov s0  }
0x73: {  	p2 =	sgt.s32 s23, $0x10;
	vm1 =	vgt.u32 v1, v0  }
.Ltmp5:
0x74: {  	_ = 	snop;
	(pc) =	sbr.rel @!p2 .LBB2_7-.Ltmp5, $2  }
0x75: {  	_ =	sdelay $0x2  }
0x76: {  	s25 =	simm.s32 $0x10;
	s28 =	sadd.s32 $0xFFFFFFF0, s23;
	s21 =	smov.u32 s20;
	vm0 =	vmmov vm1  }
.LBB2_6:
0x77: {  	s0 =	smin.u32 s28, $0x10;
	s25 =	sadd.s32 $0x10, s25;
	v1 =	vld.msk [tilespmem:s21+$0x0 ss:$0x1], vm1  }
0x78: {  	v2 =	vmov s0;
	p2 =	slt.s32 s25, s23  }
0x79: {  	vm1 =	vgt.u32 v2, v0  }
.Ltmp6:
0x7a: {  	(pc) =	sbr.rel @p2 .LBB2_6-.Ltmp6, $3  }
0x7b: {  	_ =	sdelay $0x1  }
0x7c: {  	v1 =	vshll.u32 v1, $0x4  }
0x7d: {  	s28 =	sadd.s32 $0xFFFFFFF0, s28;
	[tilespmem:s21+$0x0] =	vst.msk vm0, v1;
	s21 =	sadd.s32 $0x10, s21;
	vm0 =	vmmov vm1  }
.LBB2_7:
0x7e: {  	_ =	sdelay $0x4  }
0x7f: {  	v1 =	vld.msk [tilespmem:s21+$0x0 ss:$0x1], vm1;
	_ =	sdelay $0x4  }
0x80: {  	v1 =	vshll.u32 v1, $0x4  }
0x81: {  	[tilespmem:s21+$0x0] =	vst.msk vm0, v1  }
.LBB2_8:
0x82: {  	s0 =	sand.u32 $0x1, s18  }
0x83: {  	s2 =	smul.u32 $0x7800, s0  }
0x84: {  	p2 =	sne.s32 s26, $0xFFFFFFFF  }
0x85: {  	v1 =	vld @!p2 [tilespmem:s2+$0x106E8];
	_ =	sdelay $0x2  }
0x86: {  	s0 =	smul.u32 $0xF0, s0;
	_ =	sdelay $0x1  }
0x87: {  	v2 =	vld.msk @!p2 [tilespmem:s0+$0x10508], $0x1;
	[tilespmem:$0x108] =	vst @!p2 v1  }
0x88: {  	v1 =	vld @!p2 [tilespmem:s2+$0x106F8];
	_ =	sdelay $0x4  }
0x89: {  	[tilespmem:$0x118] =	vst @!p2 v1  }
0x8a: {  	v1 =	vld @!p2 [tilespmem:s2+$0x10708];
	_ =	sdelay $0x4  }
0x8b: {  	[tilespmem:$0x128] =	vst @!p2 v1  }
0x8c: {  	v1 =	vld @!p2 [tilespmem:s2+$0x10718];
	_ =	sdelay $0x4  }
0x8d: {  	[tilespmem:$0x138] =	vst @!p2 v1  }
0x8e: {  	v1 =	vld @!p2 [tilespmem:s2+$0x10728];
	_ =	sdelay $0x4  }
0x8f: {  	[tilespmem:$0x148] =	vst @!p2 v1  }
0x90: {  	(v2sf) =	vpush @!p2 v2, $0x0;
	v1 =	vld @!p2 [tilespmem:s2+$0x10738];
	_ =	sdelay $0x4  }
0x91: {  	[tilespmem:$0x158] =	vst @!p2 v1  }
0x92: {  	v1 =	vld @!p2 [tilespmem:s2+$0x10748];
	_ =	sdelay $0x4  }
0x93: {  	[tilespmem:$0x168] =	vst @!p2 v1  }
0x94: {  	v1 =	vld @!p2 [tilespmem:s2+$0x10758]  }
.Ltmp7:
0x95: {  	_ = 	snop;
	(pc) =	sbr.rel @p1 .LBB2_19-.Ltmp7, $4  }
0x96: {  	_ = 	snop  }
0x97: {  	s25 =	spop @!p2 (v2sf)  }
0x98: {  	s19 =	simm.s32 @!p2 $0x0;
	s21 =	smov.u32 s25  }
0x99: {  	s25 =	smov.u32 @p2 s24;
	s21 =	smov.u32 @p2 s26;
	[tilespmem:$0x178] =	vst @!p2 v1;
	[sflag:s15] =	ssyncpa.u1 $0x0  }
0x9a: {  	v1 =	vld.msk [tilespmem:s20+$0x0], $0x1;
	_ =	sdelay $0x4  }
0x9b: {  	(v2sf) =	vpush v1, $0x0;
	_ =	sdelay $0xe  }
0x9c: {  	s0 =	smul.u32 $0x1E000, s22;
	s29 =	spop (v2sf)  }
0x9d: {  	s23 =	ssub.s32 $0x0, s23;
	p1 =	seq.s32 s25, s29  }
0x9e: {  	s26 =	sadd.s32 $0x1, s23;
	s0 =	sshrl.u32 s0, $0x2;
	p2 =	sgt.s32 @!p1 s25, $0x0  }
0x9f: {  	s22 =	sor.u32 $0x10728, s0;
	s0 =	smov.u32 s25;
	p2 =	por !p2, p1  }
0xa0: {  	s0 =	simm.s32 @p2 $0x0;
	p2 =	seq.s32 s26, $0x0  }
.Ltmp8:
0xa1: {  	_ = 	snop;
	(pc) =	sbr.rel @p2 .LBB2_11-.Ltmp8, $4  }
0xa2: {  	_ = 	snop  }
0xa3: {  	s24 =	simm.s32 $0x0;
	s28 =	sadd.s32 $0x1, s20;
	s0 =	smin.u32 @!p1 s0, $0x270F0  }
0xa4: {  	s30 =	simm.s32 @!p1 $0x1;
	s31 =	simm.s32 @!p1 $0x7988;
	s2 =	sand.u32 @!p1 $0x3FFF8, s0  }
0xa5: {  	s30 =	smov.u32 @p1 s24;
	s0 =	sand.u32 @!p1 $0x7, s0;
	s2 =	sadd.s32 @!p1 s1, s2  }
.LBB2_10:
0xa6: {  	s8 =	smov.u32 s30  }
0xa7: {  	[tilespmem:s31], [sflag:$0x2] =	stream.linear.gather @!p1 [hbm4b:s2+s0], $0x80, $0x38;
	[tilespmem:$0x1F6E8] =	vst v63  }
0xa8: {  	s26 =	sadd.s32 $0x1, s26;
	s0 =	smov.u32 s29;
	v1 =	vld.msk [tilespmem:s28+$0x0], $0x1  }
0xa9: {  	p2 =	seq.s32 s26, $0x0;
	_ =	sdelay $0x3  }
0xaa: {  	(v2sf) =	vpush v1, $0x0;
	_ =	sdelay $0xe  }
0xab: {  	s29 =	spop (v2sf)  }
0xac: {  	p1 =	seq.s32 s0, s29  }
0xad: {  	p3 =	sgt.s32 @!p1 s0, $0x0;
	s2 =	sshll.u32 @!p1 s30, $0x9;
	s30 =	sadd.s32 @!p1 $0x1, s30  }
.Ltmp9:
0xae: {  	p3 =	por !p3, p1;
	s2 =	sshra.s32 @!p1 s2, $0x2;
	(pc) =	sbr.rel @!p2 .LBB2_10-.Ltmp9, $4  }
0xaf: {  	s30 =	smov.u32 @p1 s8;
	s0 =	simm.s32 @p3 $0x0;
	s31 =	sadd.s32 @!p1 $0x7988, s2  }
0xb0: {  	s0 =	smin.u32 @!p1 s0, $0x270F0  }
0xb1: {  	s2 =	sand.u32 @!p1 $0x3FFF8, s0;
	s0 =	sand.u32 @!p1 $0x7, s0  }
0xb2: {  	s28 =	sadd.s32 $0x1, s28;
	s2 =	sadd.s32 @!p1 s1, s2  }
.LBB2_11:
0xb3: {  	[tilespmem:s31], [sflag:$0x2] =	stream.linear.gather @!p1 [hbm4b:s2+s0], $0x80, $0x38;
	[tilespmem:$0x1F6E8] =	vst v63  }
.Ltmp10:
0xb4: {  	s30 =	sshll.u32 s30, $0x7;
	(pc) =	sbr.rel .LBB2_12-.Ltmp10, $4  }
0xb5: {  	s31 =	simm.s32 $0x2;
	s0 =	sand.u32 $0x3FFFFF80, s30  }
0xb6: {  	_ =	swait.ge [sflag:s31], s0  }
0xb7: {  	s0 =	ssub.s32 $0x0, s0;
	[sflag:s31] =	ssyncset.done $0x0  }
0xb8: {  	s28 =	simm.s32 $0x0;
	[sflag:s31] =	ssyncadd.s32 s0  }
.LBB2_13:
0xb9: {  	s0 =	sshra.s32 s0, $0x2;
	v1 =	vld [tilespmem:s22+$0xFFFFFFC0]  }
0xba: {  	v2 =	vld [tilespmem:s0+$0x108];
	_ =	sdelay $0x4  }
0xbb: {  	v1 =	vmax.f32 v1, v2  }
0xbc: {  	v2 =	vld [tilespmem:s0+$0x118];
	[tilespmem:s0+$0x108] =	vst v1  }
0xbd: {  	v1 =	vld [tilespmem:s22+$0xFFFFFFD0];
	_ =	sdelay $0x4  }
0xbe: {  	v1 =	vmax.f32 v1, v2  }
0xbf: {  	v2 =	vld [tilespmem:s0+$0x128];
	[tilespmem:s0+$0x118] =	vst v1  }
0xc0: {  	v1 =	vld [tilespmem:s22+$0xFFFFFFE0];
	_ =	sdelay $0x4  }
0xc1: {  	v1 =	vmax.f32 v1, v2  }
0xc2: {  	v2 =	vld [tilespmem:s0+$0x138];
	[tilespmem:s0+$0x128] =	vst v1  }
0xc3: {  	v1 =	vld [tilespmem:s22+$0xFFFFFFF0];
	_ =	sdelay $0x4  }
0xc4: {  	v1 =	vmax.f32 v1, v2  }
0xc5: {  	v2 =	vld [tilespmem:s0+$0x148];
	[tilespmem:s0+$0x138] =	vst v1  }
0xc6: {  	v1 =	vld [tilespmem:s22+$0x0];
	_ =	sdelay $0x4  }
0xc7: {  	v1 =	vmax.f32 v1, v2  }
0xc8: {  	v2 =	vld [tilespmem:s0+$0x158];
	[tilespmem:s0+$0x148] =	vst v1  }
0xc9: {  	v1 =	vld [tilespmem:s22+$0x10];
	_ =	sdelay $0x4  }
0xca: {  	v1 =	vmax.f32 v1, v2  }
0xcb: {  	v2 =	vld [tilespmem:s0+$0x168];
	[tilespmem:s0+$0x158] =	vst v1  }
0xcc: {  	v1 =	vld [tilespmem:s22+$0x20];
	_ =	sdelay $0x4  }
0xcd: {  	v1 =	vmax.f32 v1, v2  }
0xce: {  	v2 =	vld [tilespmem:s0+$0x178];
	[tilespmem:s0+$0x168] =	vst v1  }
0xcf: {  	v1 =	vld [tilespmem:s22+$0x30];
	_ =	sdelay $0x4  }
0xd0: {  	v1 =	vmax.f32 v1, v2  }
0xd1: {  	[tilespmem:s0+$0x178] =	vst v1  }
.LBB2_17:
0xd2: {  	s23 =	sadd.s32 $0x1, s23  }
0xd3: {  	p1 =	seq.s32 s23, $0x0  }
.Ltmp11:
0xd4: {  	_ = 	snop;
	(pc) =	sbr.rel @p1 .LBB2_18-.Ltmp11, $2  }
0xd5: {  	_ =	sdelay $0x2  }
0xd6: {  	s20 =	sadd.s32 $0x1, s20;
	s22 =	sadd.s32 $0x80, s22;
	s25 =	smov.u32 s26  }
.LBB2_12:
0xd7: {  	v1 =	vld.msk [tilespmem:s20+$0x0], $0x1;
	_ =	sdelay $0x4  }
0xd8: {  	(v2sf) =	vpush v1, $0x0;
	_ =	sdelay $0xe  }
0xd9: {  	s26 =	spop (v2sf)  }
0xda: {  	p1 =	sne.s32 s25, s26  }
.Ltmp12:
0xdb: {  	_ = 	snop;
	(pc) =	sbr.rel @!p1 .LBB2_13-.Ltmp12, $2  }
0xdc: {  	_ =	sdelay $0x2  }
0xdd: {  	s0 =	sshll.u32 s19, $0x9  }
0xde: {  	p1 =	seq.s32 s25, s21  }
.Ltmp13:
0xdf: {  	_ = 	snop;
	(pc) =	sbr.rel @!p1 .LBB2_15-.Ltmp13, $1  }
0xe0: {  	_ =	sdelay $0x3  }
0xe1: {  	s0 =	sshra.s32 s0, $0x2  }
.Ltmp14:
0xe2: {  	s0 =	sadd.s32 $0x108, s0;
	(pc) =	sbr.rel .LBB2_16-.Ltmp14, $4  }
0xe3: {  	[spmem:s13] =	stream.linear.scatter [tilespmem:s0], [sflag:$0x1], $0x80, $0x38;
	[tilespmem:$0x1F6E8] =	vst v63  }
0xe4: {  	_ =	swait.ge [sflag:s11], $0x80  }
0xe5: {  	[sflag:s11] =	ssyncset.done $0x0  }
0xe6: {  	[sflag:s11] =	ssyncadd.s32 $0xFFFFFF80  }
.LBB2_15:
0xe7: {  	s2 =	sshll.u32 s24, $0x9;
	s0 =	sshra.s32 s0, $0x2  }
0xe8: {  	s2 =	sshra.s32 s2, $0x2;
	v2 =	vld [tilespmem:s0+$0x108]  }
0xe9: {  	v1 =	vld [tilespmem:s2+$0x7988];
	_ =	sdelay $0x4  }
0xea: {  	v1 =	vmax.f32 v1, v2  }
0xeb: {  	v2 =	vld [tilespmem:s0+$0x118];
	[tilespmem:s0+$0x108] =	vst v1  }
0xec: {  	v1 =	vld [tilespmem:s2+$0x7998];
	_ =	sdelay $0x4  }
0xed: {  	v1 =	vmax.f32 v1, v2  }
0xee: {  	v2 =	vld [tilespmem:s0+$0x128];
	[tilespmem:s0+$0x118] =	vst v1  }
0xef: {  	v1 =	vld [tilespmem:s2+$0x79A8];
	_ =	sdelay $0x4  }
0xf0: {  	v1 =	vmax.f32 v1, v2  }
0xf1: {  	v2 =	vld [tilespmem:s0+$0x138];
	[tilespmem:s0+$0x128] =	vst v1  }
0xf2: {  	v1 =	vld [tilespmem:s2+$0x79B8];
	_ =	sdelay $0x4  }
0xf3: {  	v1 =	vmax.f32 v1, v2  }
0xf4: {  	v2 =	vld [tilespmem:s0+$0x148];
	[tilespmem:s0+$0x138] =	vst v1  }
0xf5: {  	v1 =	vld [tilespmem:s2+$0x79C8];
	_ =	sdelay $0x4  }
0xf6: {  	v1 =	vmax.f32 v1, v2  }
0xf7: {  	v2 =	vld [tilespmem:s0+$0x158];
	[tilespmem:s0+$0x148] =	vst v1  }
0xf8: {  	v1 =	vld [tilespmem:s2+$0x79D8];
	_ =	sdelay $0x4  }
0xf9: {  	v1 =	vmax.f32 v1, v2  }
0xfa: {  	v2 =	vld [tilespmem:s0+$0x168];
	[tilespmem:s0+$0x158] =	vst v1  }
0xfb: {  	v1 =	vld [tilespmem:s2+$0x79E8];
	_ =	sdelay $0x4  }
0xfc: {  	v1 =	vmax.f32 v1, v2  }
0xfd: {  	v2 =	vld [tilespmem:s0+$0x178];
	[tilespmem:s0+$0x168] =	vst v1  }
0xfe: {  	v1 =	vld [tilespmem:s2+$0x79F8];
	_ =	sdelay $0x3  }
0xff: {  	p1 =	sgt.u32 s25, $0x270F0  }
0x100: {  	s2 =	sand.u32 @!p1 $0x3FFF8, s25;
	v1 =	vmax.f32 v1, v2  }
0x101: {  	s8 =	sadd.s32 $0x108, s0;
	[tilespmem:s0+$0x178] =	vst v1;
	s0 =	sadd.s32 @!p1 s1, s2;
	s2 =	sand.u32 @!p1 $0x7, s25  }
0x102: {  	[hbm4b:s0+s2] =	stream.linear.scatter @!p1 [tilespmem:s8], [sflag:$0xA], $0x80, $0x38;
	[tilespmem:$0x1F6E8] =	vst v63  }
0x103: {  	s0 =	simm.s32 $0x0  }
0x104: {  	s0 =	simm.s32 @!p1 $0x200  }
0x105: {  	s28 =	sadd.s32 s0, s28  }
.LBB2_16:
0x106: {  	s0 =	sadd.s32 $0x1, s19  }
0x107: {  	s2 =	smulhi.u32 $0x88888889, s0;
	_ =	sdelay $0x1  }
0x108: {  	v1 =	vld [tilespmem:s22+$0xFFFFFFC0];
	s2 =	sshrl.u32 s2, $0x7  }
0x109: {  	s2 =	smul.u32 $0xF0, s2;
	_ =	sdelay $0x1  }
0x10a: {  	s19 =	ssub.s32 s0, s2  }
0x10b: {  	s0 =	sshll.u32 s19, $0x7  }
0x10c: {  	[tilespmem:s0+$0x108] =	vst v1  }
0x10d: {  	v1 =	vld [tilespmem:s22+$0xFFFFFFD0];
	_ =	sdelay $0x4  }
0x10e: {  	[tilespmem:s0+$0x118] =	vst v1  }
0x10f: {  	v1 =	vld [tilespmem:s22+$0xFFFFFFE0];
	_ =	sdelay $0x4  }
0x110: {  	[tilespmem:s0+$0x128] =	vst v1  }
0x111: {  	v1 =	vld [tilespmem:s22+$0xFFFFFFF0];
	_ =	sdelay $0x4  }
0x112: {  	[tilespmem:s0+$0x138] =	vst v1  }
0x113: {  	v1 =	vld [tilespmem:s22+$0x0];
	_ =	sdelay $0x4  }
0x114: {  	[tilespmem:s0+$0x148] =	vst v1  }
0x115: {  	v1 =	vld [tilespmem:s22+$0x10];
	_ =	sdelay $0x4  }
0x116: {  	[tilespmem:s0+$0x158] =	vst v1  }
0x117: {  	v1 =	vld [tilespmem:s22+$0x20];
	_ =	sdelay $0x4  }
0x118: {  	[tilespmem:s0+$0x168] =	vst v1  }
0x119: {  	v1 =	vld [tilespmem:s22+$0x30]  }
.Ltmp15:
0x11a: {  	_ = 	snop;
	(pc) =	sbr.rel .LBB2_17-.Ltmp15, $2  }
0x11b: {  	_ =	sdelay $0x2  }
0x11c: {  	s24 =	sadd.s32 $0x1, s24;
	[tilespmem:s0+$0x178] =	vst v1  }
.LBB2_19:
.Ltmp16:
0x11d: {  	(pc) =	sbr.rel .LBB2_20-.Ltmp16, $4  }
0x11e: {  	_ = 	snop  }
0x11f: {  	s0 =	simm.s32 $0x2  }
0x120: {  	_ =	swait.ge [sflag:s0], $0x0  }
0x121: {  	s26 =	smov.u32 s25;
	[sflag:s0] =	ssyncset.done $0x0;
	s0 =	simm.s32 $0x0  }
.LBB2_22:
0x122: {  	_ =	sfence.sel $0x180000  }
0x123: {  	s0 =	simm.s32 $0x7;
	[bflag:$0x0] =	sbarrier.arrive $0xFFFF  }
0x124: {  	s25 =	simm.s32 $0x8;
	[sflag:s0] =	ssyncpa.u1 $0x1  }
0x125: {  	s26 =	simm.s32 $0x9;
	[sflag:s25] =	ssyncpa.u1 $0x1  }
0x126: {  	s28 =	simm.s32 $0x2;
	[sflag:s26] =	ssyncpa.u1 $0x1  }
0x127: {  	[sflag:s28] =	ssyncpa.u1 $0x1  }
0x128: {  	v0 =	vld [tilespmem:$0xF208];
	_ =	sdelay $0x4  }
0x129: {  	(v2sf) =	vpush v0, $0x0  }
0x12a: {  	(v2sf) =	vpush v0, $0x1;
	_ =	sdelay $0x1  }
0x12b: {  	(v2sf) =	vpush v0, $0x2;
	_ =	sdelay $0xb  }
0x12c: {  	s0 =	spop (v2sf)  }
0x12d: {  	s2 =	spop (v2sf)  }
0x12e: {  	s3 =	smov.u32 s0;
	p0 =	sne.s32 s0, s2  }
0x12f: {  	s4 =	spop (v2sf);
	s3 =	simm.s32 @!p0 $0xFFFFFFFF  }
0x130: {  	v2 =	vimm.s32 $0x1;
	v3 =	vlaneseq.u32;
	p0 =	seq.s32 s4, $0xFFFFFFFF;
	v1 =	vmov s3  }
0x131: {  	s7 =	stileid.u32;
	v0 =	vperm.xlane v0, v2;
	p1 =	sne.s32 @!p0 s0, s2;
	v1 =	vperm.xlane v1, v3  }
0x132: {  	vm0 =	vcmask $0x3F04;
	s6 =	simm.s32 $0xF208;
	s0 =	simm.s32 @!p0 $0x1;
	p1 =	por !p1, p0  }
0x133: {  	s3 =	sshll.u32 s7, $0x1;
	s2 =	sshll.u32 @!p0 s4, $0x9;
	s0 =	simm.s32 @p1 $0x0;
	v0 =	vsel vm0, v1, v0  }
0x134: {  	s5 =	sor.u32 $0x1000, s3;
	s2 =	sshra.s32 @!p0 s2, $0x2;
	s0 =	sor.u32 @!p0 s0, s3;
	[tilespmem:$0xF208] =	vst v0  }
0x135: {  	[spmem:s5] =	stream.linear.scatter [tilespmem:s6], [sflag:$0x1], $0x2, $0x38;
	[tilespmem:$0x1F6E8] =	vst v63  }
0x136: {  	s2 =	sadd.s32 @!p0 $0x108, s2;
	s0 =	sshll.u32 @!p0 s0, $0x7  }
0x137: {  	[spmem:s0] =	stream.linear.scatter @!p0 [tilespmem:s2], [sflag:$0x1], $0x80, $0x38;
	[tilespmem:$0x1F6E8] =	vst v63  }
0x138: {  	s0 =	simm.s32 @!p0 $0x82  }
0x139: {  	s3 =	simm.s32 $0x1;
	s0 =	simm.s32 @p0 $0x2  }
0x13a: {  	_ =	swait.ge [sflag:s3], s0  }
0x13b: {  	s0 =	ssub.s32 $0x0, s0;
	[sflag:s3] =	ssyncset.done $0x0  }
0x13c: {  	[sflag:s3] =	ssyncadd.s32 s0  }
0x13d: {  	_ =	sfence.stream.spmem  }
0x13e: {  	s29 =	simm.s32 $0x3;
	[bflag:$0x0] =	sbarrier.arrive $0xFFFF  }
0x13f: {  	s30 =	simm.s32 $0x4;
	[sflag:s29] =	ssyncpa.u1 $0x1  }
0x140: {  	s31 =	simm.s32 $0x3C;
	[sflag:s30] =	ssyncpa.u1 $0x1  }
0x141: {  	p0 =	sne.s32 s7, $0x0;
	[sflag:s31] =	ssyncpa.u1 $0x1  }
0x142: {  	_ =	sfence @p0  }
0x143: {  	[sflag:s3] =	ssyncpa.u1 @p0 $0x1  }
0x144: {  	_ =	strace @p0 $0x9000004A  }
0x145: {  	[bflag:$0x2] =	sbarrier.arrive @p0 $0xFFFF  }
0x146: {  	_ =	shalt @p0  }
.LBB2_23:
0x147: {  	_ =	sfence.stream.spmem;
	s0 =	simm.s32 $0x5  }
0x148: {  	s2 =	simm.s32 $0x1000;
	s3 =	simm.s32 $0xF218;
	[sflag:s0] =	ssyncpa.u1 $0x0  }
0x149: {  	[tilespmem:s3], [sflag:$0x5] =	stream.linear.gather [spmem:s2], $0x20, $0x38;
	[tilespmem:$0x1F6E8] =	vst v63  }
0x14a: {  	s30 =	simm.s32 $0xF238;
	s2 =	simm.s32 $0x0  }
0x14b: {  	[tilespmem:s30], [sflag:$0x5] =	stream.linear.gather [spmem:s2], $0x1000, $0x38;
	[tilespmem:$0x1F6E8] =	vst v63  }
.Ltmp17:
0x14c: {  	_ = 	snop;
	(pc) =	sbr.rel .LBB2_24-.Ltmp17, $4  }
0x14d: {  	_ =	swait.ge [sflag:s0], $0x1020  }
0x14e: {  	[sflag:s0] =	ssyncset.done $0x0  }
0x14f: {  	s31 =	simm.s32 $0x6;
	[sflag:s0] =	ssyncadd.s32 $0xFFFFEFE0  }
0x150: {  	s3 =	simm.s32 $0x0;
	[sflag:s31] =	ssyncpa.u1 $0x0  }
.LBB2_30:
0x151: {  	p0 =	slt.u32 s4, $0x270F1  }
0x152: {  	s0 =	sand.u32 @p0 $0x3FFF8, s4  }
0x153: {  	s4 =	sand.u32 @p0 $0x7, s4;
	s5 =	simm.s32 @p0 $0xF188;
	s0 =	sadd.s32 @p0 s1, s0  }
0x154: {  	[tilespmem:s5], [sflag:$0x6] =	stream.linear.gather @p0 [hbm4b:s0+s4], $0x80, $0x38;
	[tilespmem:$0x1F6E8] =	vst v63  }
0x155: {  	s0 =	simm.s32 @p0 $0x6  }
0x156: {  	_ =	swait.ge @p0 [sflag:s0], $0x80  }
0x157: {  	[sflag:s0] =	ssyncset.done @p0 $0x0  }
0x158: {  	[sflag:s0] =	ssyncadd.s32 @p0 $0xFFFFFF80;
	s0 =	sshll.u32 @p0 s3, $0x9  }
0x159: {  	s4 =	sshrl.u32 @p0 s0, $0x2;
	v1 =	vld @p0 [tilespmem:$0xF188]  }
0x15a: {  	v2 =	vld @p0 [tilespmem:s4+$0xF238];
	_ =	sdelay $0x4  }
0x15b: {  	v1 =	vmax.f32 @p0 v1, v2  }
0x15c: {  	v2 =	vld @p0 [tilespmem:s4+$0xF248];
	[tilespmem:s4+$0xF238] =	vst @p0 v1  }
0x15d: {  	v1 =	vld @p0 [tilespmem:$0xF198];
	_ =	sdelay $0x4  }
0x15e: {  	v1 =	vmax.f32 @p0 v1, v2  }
0x15f: {  	v2 =	vld @p0 [tilespmem:s4+$0xF258];
	[tilespmem:s4+$0xF248] =	vst @p0 v1  }
0x160: {  	v1 =	vld @p0 [tilespmem:$0xF1A8];
	_ =	sdelay $0x4  }
0x161: {  	v1 =	vmax.f32 @p0 v1, v2  }
0x162: {  	v2 =	vld @p0 [tilespmem:s4+$0xF268];
	[tilespmem:s4+$0xF258] =	vst @p0 v1  }
0x163: {  	v1 =	vld @p0 [tilespmem:$0xF1B8];
	_ =	sdelay $0x4  }
0x164: {  	v1 =	vmax.f32 @p0 v1, v2  }
0x165: {  	v2 =	vld @p0 [tilespmem:s4+$0xF278];
	[tilespmem:s4+$0xF268] =	vst @p0 v1  }
0x166: {  	v1 =	vld @p0 [tilespmem:$0xF1C8];
	_ =	sdelay $0x4  }
0x167: {  	v1 =	vmax.f32 @p0 v1, v2  }
0x168: {  	v2 =	vld @p0 [tilespmem:s4+$0xF288];
	[tilespmem:s4+$0xF278] =	vst @p0 v1  }
0x169: {  	v1 =	vld @p0 [tilespmem:$0xF1D8];
	_ =	sdelay $0x4  }
0x16a: {  	v1 =	vmax.f32 @p0 v1, v2  }
0x16b: {  	v2 =	vld @p0 [tilespmem:s4+$0xF298];
	[tilespmem:s4+$0xF288] =	vst @p0 v1  }
0x16c: {  	v1 =	vld @p0 [tilespmem:$0xF1E8];
	_ =	sdelay $0x4  }
0x16d: {  	v1 =	vmax.f32 @p0 v1, v2  }
0x16e: {  	v2 =	vld @p0 [tilespmem:s4+$0xF2A8];
	[tilespmem:s4+$0xF298] =	vst @p0 v1  }
0x16f: {  	v1 =	vld @p0 [tilespmem:$0xF1F8];
	_ =	sdelay $0x4  }
0x170: {  	s5 =	sshll.u32 @!p0 s3, $0x9;
	v1 =	vmax.f32 @p0 v1, v2  }
0x171: {  	s5 =	smov.u32 @p0 s0;
	[tilespmem:s4+$0xF2A8] =	vst @p0 v1  }
0x172: {  	s0 =	sshrl.u32 s5, $0x2;
	[tilespmem:s2+$0xF218] =	vst.msk $0x1, v0  }
0x173: {  	v0 =	vld [tilespmem:s0+$0xF238];
	_ =	sdelay $0x2  }
0x174: {  	s31 =	sshll.u32 s2, $0x9  }
0x175: {  	s4 =	sshra.s32 s31, $0x2  }
0x176: {  	[tilespmem:s4+$0xF238] =	vst v0  }
0x177: {  	v0 =	vld [tilespmem:s0+$0xF248];
	_ =	sdelay $0x4  }
0x178: {  	[tilespmem:s4+$0xF248] =	vst v0  }
0x179: {  	v0 =	vld [tilespmem:s0+$0xF258];
	_ =	sdelay $0x4  }
0x17a: {  	[tilespmem:s4+$0xF258] =	vst v0  }
0x17b: {  	v0 =	vld [tilespmem:s0+$0xF268];
	_ =	sdelay $0x4  }
0x17c: {  	[tilespmem:s4+$0xF268] =	vst v0  }
0x17d: {  	v0 =	vld [tilespmem:s0+$0xF278];
	_ =	sdelay $0x4  }
0x17e: {  	[tilespmem:s4+$0xF278] =	vst v0  }
0x17f: {  	v0 =	vld [tilespmem:s0+$0xF288];
	_ =	sdelay $0x4  }
0x180: {  	[tilespmem:s4+$0xF288] =	vst v0  }
0x181: {  	v0 =	vld [tilespmem:s0+$0xF298];
	_ =	sdelay $0x4  }
0x182: {  	[tilespmem:s4+$0xF298] =	vst v0  }
0x183: {  	v0 =	vld [tilespmem:s0+$0xF2A8];
	_ =	sdelay $0x4  }
0x184: {  	s2 =	sadd.s32 $0x1, s2;
	[tilespmem:s4+$0xF2A8] =	vst v0  }
.LBB2_31:
0x185: {  	s3 =	sadd.s32 $0x1, s3  }
0x186: {  	p0 =	sne.s32 s3, $0x20  }
.Ltmp18:
0x187: {  	_ = 	snop;
	(pc) =	sbr.rel @!p0 .LBB2_32-.Ltmp18, $1  }
0x188: {  	_ =	sdelay $0x3  }
.LBB2_24:
0x189: {  	v0 =	vld.msk [tilespmem:s3+$0xF218], $0x1;
	_ =	sdelay $0x4  }
0x18a: {  	(v2sf) =	vpush v0, $0x0;
	_ =	sdelay $0xe  }
0x18b: {  	s4 =	spop (v2sf)  }
0x18c: {  	p0 =	seq.s32 s4, $0xFFFFFFFF  }
.Ltmp19:
0x18d: {  	_ = 	snop;
	(pc) =	sbr.rel @p0 .LBB2_31-.Ltmp19, $1  }
0x18e: {  	_ =	sdelay $0x3  }
0x18f: {  	p0 =	slt.s32 s2, $0x1  }
.Ltmp20:
0x190: {  	_ = 	snop;
	(pc) =	sbr.rel @p0 .LBB2_30-.Ltmp20, $1  }
0x191: {  	_ =	sdelay $0x3  }
0x192: {  	s5 =	simm.s32 $0xF218;
	p0 =	por $0x0, $0x0  }
0x193: {  	v1 =	vld.msk @!p0 [tilespmem:s5+$0x0], $0x1;
	_ =	sdelay $0x4  }
0x194: {  	(v2sf) =	vpush @!p0 v1, $0x0;
	_ =	sdelay $0xd  }
0x195: {  	p2 =	sne.s32 s2, $0x1  }
.Ltmp21:
0x196: {  	s0 =	spop @!p0 (v2sf);
	(pc) =	sbr.rel @!p2 .LBB2_28-.Ltmp21, $4  }
0x197: {  	p1 =	seq.s32 @!p0 s4, s0  }
0x198: {  	s6 =	simm.s32 $0x0;
	p1 =	por !p1, p0  }
0x199: {  	s0 =	simm.s32 $0xFFFFFFFF;
	s6 =	simm.s32 @p1 $0xFFFFFFFF  }
0x19a: {  	s7 =	simm.s32 $0x1;
	s6 =	smov.u32 @p0 s0  }
.LBB2_27:
0x19b: {  	s0 =	smov.u32 s6;
	p0 =	sne.s32 s6, $0xFFFFFFFF  }
0x19c: {  	s5 =	sadd.s32 $0x1, s5;
	s6 =	smov.u32 s7;
	s7 =	sadd.s32 $0x1, s7  }
0x19d: {  	p1 =	sne.s32 s2, s7;
	v1 =	vld.msk @!p0 [tilespmem:s5+$0x0], $0x1;
	_ =	sdelay $0x4  }
0x19e: {  	(v2sf) =	vpush @!p0 v1, $0x0;
	_ =	sdelay $0xe  }
.Ltmp22:
0x19f: {  	s8 =	spop @!p0 (v2sf);
	(pc) =	sbr.rel @p1 .LBB2_27-.Ltmp22, $4  }
0x1a0: {  	p2 =	seq.s32 @!p0 s4, s8  }
0x1a1: {  	p2 =	por !p2, p0  }
0x1a2: {  	s6 =	simm.s32 @p2 $0xFFFFFFFF  }
0x1a3: {  	s6 =	smov.u32 @p0 s0  }
.LBB2_28:
0x1a4: {  	p0 =	seq.s32 s6, $0xFFFFFFFF  }
.Ltmp23:
0x1a5: {  	_ = 	snop;
	(pc) =	sbr.rel @p0 .LBB2_30-.Ltmp23, $1  }
0x1a6: {  	_ =	sdelay $0x3  }
0x1a7: {  	s0 =	sshll.u32 s3, $0x7  }
0x1a8: {  	s4 =	sshll.u32 s6, $0x9;
	s0 =	sand.u32 $0x3FFFFF80, s0  }
0x1a9: {  	s4 =	sshra.s32 s4, $0x2;
	v0 =	vld [tilespmem:s0+$0xF238]  }
0x1aa: {  	v1 =	vld [tilespmem:s4+$0xF238];
	_ =	sdelay $0x4  }
0x1ab: {  	v0 =	vmax.f32 v0, v1  }
0x1ac: {  	v57 =	vld [tilespmem:s4+$0xF248];
	[tilespmem:s4+$0xF238] =	vst v0  }
0x1ad: {  	v0 =	vld [tilespmem:s0+$0xF248];
	_ =	sdelay $0x4  }
0x1ae: {  	v0 =	vmax.f32 v0, v57  }
0x1af: {  	v58 =	vld [tilespmem:s4+$0xF258];
	[tilespmem:s4+$0xF248] =	vst v0  }
0x1b0: {  	v0 =	vld [tilespmem:s0+$0xF258];
	_ =	sdelay $0x4  }
0x1b1: {  	v0 =	vmax.f32 v0, v58  }
0x1b2: {  	v59 =	vld [tilespmem:s4+$0xF268];
	[tilespmem:s4+$0xF258] =	vst v0  }
0x1b3: {  	v0 =	vld [tilespmem:s0+$0xF268];
	_ =	sdelay $0x4  }
0x1b4: {  	v0 =	vmax.f32 v0, v59  }
0x1b5: {  	v60 =	vld [tilespmem:s4+$0xF278];
	[tilespmem:s4+$0xF268] =	vst v0  }
0x1b6: {  	v0 =	vld [tilespmem:s0+$0xF278];
	_ =	sdelay $0x4  }
0x1b7: {  	v0 =	vmax.f32 v0, v60  }
0x1b8: {  	v61 =	vld [tilespmem:s4+$0xF288];
	[tilespmem:s4+$0xF278] =	vst v0  }
0x1b9: {  	v0 =	vld [tilespmem:s0+$0xF288];
	_ =	sdelay $0x4  }
0x1ba: {  	v0 =	vmax.f32 v0, v61  }
0x1bb: {  	v62 =	vld [tilespmem:s4+$0xF298];
	[tilespmem:s4+$0xF288] =	vst v0  }
0x1bc: {  	v0 =	vld [tilespmem:s0+$0xF298];
	_ =	sdelay $0x4  }
0x1bd: {  	v0 =	vmax.f32 v0, v62  }
0x1be: {  	v63 =	vld [tilespmem:s4+$0xF2A8];
	[tilespmem:s4+$0xF298] =	vst v0  }
0x1bf: {  	v0 =	vld [tilespmem:s0+$0xF2A8];
	_ =	sdelay $0x1  }
.Ltmp24:
0x1c0: {  	_ = 	snop;
	(pc) =	sbr.rel .LBB2_31-.Ltmp24, $3  }
0x1c1: {  	_ =	sdelay $0x1  }
0x1c2: {  	v0 =	vmax.f32 v0, v63  }
0x1c3: {  	[tilespmem:s4+$0xF2A8] =	vst v0  }
.LBB2_32:
0x1c4: {  	p0 =	slt.s32 s2, $0x1  }
.Ltmp25:
0x1c5: {  	_ = 	snop;
	(pc) =	sbr.rel @p0 .LBB2_36-.Ltmp25, $3  }
0x1c6: {  	_ =	sdelay $0x1  }
0x1c7: {  	s0 =	simm.s32 $0x6  }
0x1c8: {  	s3 =	simm.s32 $0x0;
	[sflag:s0] =	ssyncpa.u1 $0x1  }
0x1c9: {  	s0 =	simm.s32 $0xF218  }
0x1ca: {  	v0 =	vld.msk [tilespmem:s0+$0x0], $0x1;
	_ =	sdelay $0x4  }
0x1cb: {  	(v2sf) =	vpush v0, $0x0;
	_ =	sdelay $0xd  }
0x1cc: {  	s2 =	sadd.s32 $0xFFFFFFFF, s2  }
0x1cd: {  	p1 =	sne.s32 s2, $0x0;
	s0 =	spop (v2sf)  }
.Ltmp26:
0x1ce: {  	p0 =	sgt.u32 s0, $0x270F0;
	(pc) =	sbr.rel @!p1 .LBB2_35-.Ltmp26, $4  }
0x1cf: {  	s4 =	simm.s32 $0xF238;
	s5 =	sand.u32 @!p0 $0x3FFF8, s0  }
0x1d0: {  	s6 =	simm.s32 $0x0;
	s0 =	sand.u32 @!p0 $0x7, s0;
	s5 =	sadd.s32 @!p0 s1, s5  }
0x1d1: {  	[hbm4b:s5+s0] =	stream.linear.scatter @!p0 [tilespmem:s4], [sflag:$0x5], $0x80, $0x38;
	[tilespmem:$0x1F6E8] =	vst v63  }
0x1d2: {  	s6 =	simm.s32 @!p0 $0x200;
	s5 =	simm.s32 $0xF219  }
.LBB2_34:
0x1d3: {  	v0 =	vld.msk [tilespmem:s5+$0x0], $0x1;
	s2 =	sadd.s32 $0xFFFFFFFF, s2;
	s3 =	sadd.s32 s3, s6  }
0x1d4: {  	p0 =	sne.s32 s2, $0x0;
	_ =	sdelay $0x3  }
0x1d5: {  	(v2sf) =	vpush v0, $0x0;
	_ =	sdelay $0xe  }
.Ltmp27:
0x1d6: {  	s0 =	spop (v2sf);
	(pc) =	sbr.rel @p0 .LBB2_34-.Ltmp27, $4  }
0x1d7: {  	s6 =	simm.s32 $0x0;
	p1 =	sgt.u32 s0, $0x270F0  }
0x1d8: {  	s4 =	sadd.s32 $0x80, s4;
	s6 =	simm.s32 @!p1 $0x200;
	s7 =	sand.u32 @!p1 $0x3FFF8, s0  }
0x1d9: {  	s5 =	sadd.s32 $0x1, s5;
	s0 =	sand.u32 @!p1 $0x7, s0;
	s7 =	sadd.s32 @!p1 s1, s7  }
0x1da: {  	[hbm4b:s7+s0] =	stream.linear.scatter @!p1 [tilespmem:s4], [sflag:$0x5], $0x80, $0x38;
	[tilespmem:$0x1F6E8] =	vst v63  }
.LBB2_35:
0x1db: {  	s0 =	sadd.s32 s3, s6  }
0x1dc: {  	s3 =	sshrl.u32 s0, $0x2  }
.LBB2_36:
0x1dd: {  	s0 =	simm.s32 $0x5  }
0x1de: {  	_ =	swait.ge [sflag:s0], s3  }
0x1df: {  	s1 =	ssub.s32 $0x0, s3;
	[sflag:s0] =	ssyncset.done $0x0  }
0x1e0: {  	[sflag:s0] =	ssyncadd.s32 s1  }
0x1e1: {  	[sflag:s0] =	ssyncpa.u1 $0x1  }
0x1e2: {  	s30 =	simm.s32 $0x1;
	_ =	sfence  }
0x1e3: {  	[sflag:s30] =	ssyncpa.u1 $0x1  }
0x1e4: {  	_ =	strace $0x9000004A  }
0x1e5: {  	[bflag:$0x2] =	sbarrier.arrive $0xFFFF  }
0x1e6: {  	s31 =	rddreg [dreg:$0x2]  }
0x1e7: {  	s0 =	sadd.s32 $0x100000, s31  }
0x1e8: {  	[sflag:s0] =	ssyncadd.tile.s32 $0x1;
	_ =	shalt  }
.Lfunc_end2:
_tile_overlayer_lowered:
.L_overlay_start_2:
0x1e9: {  	(tag) =	ssettag $0x2  }
0x1ea: {  	s0 =	rddreg [dreg:$0x0];
	s2 =	stileid.u32  }
0x1eb: {  	s1 =	rddreg [dreg:$0x1];
	p0 =	sne.s32 s2, $0x0  }
0x1ec: {  	s3 =	rddreg [dreg:$0x2];
	[bflag:$0x3] =	sbarrier.arrive $0xFFFF;
	s2 =	simm.s32 @!p0 $0x1C01  }
0x1ed: {  	[timem:s3], [sflag:s2] =	dma.local @!p0 [hbm:s0], s1  }
0x1ee: {  	s0 =	simm.s32 @!p0 $0x1  }
0x1ef: {  	_ =	swait.ge @!p0 [sflag:s0], s1  }
0x1f0: {  	s1 =	ssub.s32 @!p0 $0x0, s1;
	[sflag:s0] =	ssyncset.done @!p0 $0x0  }
0x1f1: {  	[sflag:s0] =	ssyncadd.s32 @!p0 s1  }
0x1f2: {  	[bflag:$0x3] =	sbarrier.arrive $0xFFFF  }
0x1f3: {  	_ =	shalt  }

</sc_bundles>
